<compile_context>
chip_gen: v7x
topology: tpu7x:2x2x1
jax: 0.10.2.dev20260603
libtpu: 0.0.44.dev20260713+nightly
codegen_flags: <defaults>
</compile_context>

<pallas_src>
import functools

import jax
import jax.numpy as jnp
from jax import lax
from jax.experimental import pallas as pl
from jax.experimental.pallas import tpu as pltpu
from jax.experimental.pallas import tpu_sc as plsc

NC = 2
NS = 16
NW = NC * NS
CHUNK = 80

_HIGH = jax.lax.Precision.HIGHEST


def _hist_body(npad, nchunk, col3_hbm, out_hbm, idx_v, ones_v, zb_v, acc_sh):
    cid = lax.axis_index("c")
    sid = lax.axis_index("s")
    wid = cid * NS + sid
    zrow = npad // NS
    zeros16 = jnp.zeros((16,), jnp.float32)
    ones16 = jnp.full((16,), 1.0, jnp.float32)
    for k in range(CHUNK // 16):
        ones_v[pl.ds(k * 16, 16)] = ones16

    def zfill(j, carry):
        zb_v[pl.ds(j * 16, 16)] = zeros16
        return carry

    lax.fori_loop(0, zrow // 16, zfill, 0)
    pltpu.sync_copy(zb_v, acc_sh.at[pl.ds(sid * zrow, zrow)])
    plsc.subcore_barrier()
    pltpu.sync_copy(col3_hbm.at[wid], idx_v)

    def step(i, carry):
        pltpu.sync_copy(ones_v, acc_sh.at[idx_v.at[i]], add=True)
        return carry

    lax.fori_loop(0, nchunk, step, 0)
    plsc.subcore_barrier()
    pltpu.sync_copy(acc_sh.at[pl.ds(sid * zrow, zrow)],
                    out_hbm.at[pl.ds(wid * zrow, zrow)])


def _make_hist(e, npad):
    nchunk = e // (NW * CHUNK)
    mesh = plsc.VectorSubcoreMesh(core_axis_name="c", subcore_axis_name="s")
    return pl.kernel(
        functools.partial(_hist_body, npad, nchunk),
        out_type=jax.ShapeDtypeStruct((NC * npad,), jnp.float32),
        mesh=mesh,
        scratch_types=[
            pltpu.VMEM((nchunk, CHUNK), jnp.int32),
            pltpu.VMEM((CHUNK,), jnp.float32),
            pltpu.VMEM((npad // NS,), jnp.float32),
            pltpu.VMEM_SHARED((npad,), jnp.float32),
        ],
    )


def _scatter_body(n, hh, nchunk, g_hbm, row4_hbm, col3_hbm, out_hbm,
                  idxr_v, idxc_v, rows_a, rows_b, zb_v, acc_sh, sem, sem2):
    cid = lax.axis_index("c")
    sid = lax.axis_index("s")
    rows_per_tile = n // NS
    zrows = zb_v.shape[0]
    zeros16 = jnp.zeros((16,), jnp.float32)

    def zfill(j, carry):
        for k in range(hh // 16):
            zb_v[j, pl.ds(k * 16, 16)] = zeros16
        return carry

    lax.fori_loop(0, zrows, zfill, 0)
    for t in range(rows_per_tile // zrows):
        pltpu.sync_copy(zb_v, acc_sh.at[pl.ds(sid * rows_per_tile + t * zrows, zrows)])
    plsc.subcore_barrier()

    pltpu.sync_copy(row4_hbm.at[cid, sid], idxr_v)
    pltpu.sync_copy(col3_hbm.at[sid], idxc_v)

    def pair(j, carry):
        i = j * 2
        d0 = pltpu.async_copy(g_hbm.at[idxr_v.at[i]], rows_a, sem)
        d1 = pltpu.async_copy(g_hbm.at[idxr_v.at[i + 1]], rows_b, sem2)
        d0.wait()
        pltpu.sync_copy(rows_a, acc_sh.at[idxc_v.at[i]], add=True)
        d1.wait()
        pltpu.sync_copy(rows_b, acc_sh.at[idxc_v.at[i + 1]], add=True)
        return carry

    lax.fori_loop(0, nchunk // 2, pair, 0)
    plsc.subcore_barrier()
    pltpu.sync_copy(acc_sh.at[pl.ds(sid * rows_per_tile, rows_per_tile)],
                    out_hbm.at[cid, sid])


def _make_scatter(n, hh, e):
    nchunk = e // (NS * CHUNK)
    mesh = plsc.VectorSubcoreMesh(core_axis_name="c", subcore_axis_name="s")
    return pl.kernel(
        functools.partial(_scatter_body, n, hh, nchunk),
        out_type=jax.ShapeDtypeStruct((NC, NS, n // NS, hh), jnp.float32),
        mesh=mesh,
        scratch_types=[
            pltpu.VMEM((nchunk, CHUNK), jnp.int32),
            pltpu.VMEM((nchunk, CHUNK), jnp.int32),
            pltpu.VMEM((CHUNK, hh), jnp.float32),
            pltpu.VMEM((CHUNK, hh), jnp.float32),
            pltpu.VMEM((125, hh), jnp.float32),
            pltpu.VMEM_SHARED((n, hh), jnp.float32),
            pltpu.SemaphoreType.DMA,
            pltpu.SemaphoreType.DMA,
        ],
        compiler_params=pltpu.CompilerParams(use_tc_tiling_on_sc=False),
    )


def _tc_g1(x_ref, w1_ref, dis_ref, g1_ref):
    hm = jnp.dot(x_ref[...], w1_ref[...], preferred_element_type=jnp.float32,
                 precision=_HIGH)
    g1_ref[...] = hm * dis_ref[...]


def _tc_mid(s_ref, g1_ref, dis_ref, b1_ref, a1_ref, w2_ref, g2_ref):
    o = (s_ref[...] + g1_ref[...]) * dis_ref[...] + b1_ref[...]
    a = a1_ref[0, 0]
    z1 = jnp.where(o >= 0, o, a * o)
    h2 = jnp.dot(z1, w2_ref[...], preferred_element_type=jnp.float32,
                 precision=_HIGH)
    g2_ref[...] = h2 * dis_ref[...]


def _tc_fin(s_ref, g2_ref, dis_ref, b2_ref, a_ref, bng_ref, bnb_ref,
            pw_ref, pb_ref, pbng_ref, pbnb_ref, a2_ref, z_ref, p_ref):
    o = (s_ref[...] + g2_ref[...]) * dis_ref[...] + b2_ref[...]
    a = a_ref[0, 0]
    z2 = jnp.where(o >= 0, o, a * o)
    m = jnp.mean(z2, axis=0, keepdims=True)
    v = jnp.mean((z2 - m) ** 2, axis=0, keepdims=True)
    z = (z2 - m) * lax.rsqrt(v + 1e-5) * bng_ref[...] + bnb_ref[...]
    q = jnp.dot(z, pw_ref[...], preferred_element_type=jnp.float32,
                precision=_HIGH) + pb_ref[...]
    m2 = jnp.mean(q, axis=0, keepdims=True)
    v2 = jnp.mean((q - m2) ** 2, axis=0, keepdims=True)
    pz = (q - m2) * lax.rsqrt(v2 + 1e-5) * pbng_ref[...] + pbnb_ref[...]
    a2 = a2_ref[0, 0]
    z_ref[...] = z
    p_ref[...] = jnp.where(pz >= 0, pz, a2 * pz)


def _to_split(g, n, hh):
    return g.reshape(n, 2, hh).transpose(1, 0, 2).reshape(2 * n, hh)


def _from_split(sp, n, hh):
    s3 = sp.reshape(NC, n, hh)
    return jnp.concatenate([s3[0], s3[1]], axis=1)


def kernel(x, edge_index, W1, b1, W2, b2, prelu_a, bn_g, bn_b, pW, pb,
           pbn_g, pbn_b, prelu_a2):
    n, d = x.shape
    h = W1.shape[1]
    hh = h // 2
    e = edge_index.shape[1]
    npad = ((n + 16 * NS - 1) // (16 * NS)) * (16 * NS)

    row = edge_index[0]
    col = edge_index[1]
    nch_h = e // (NW * CHUNK)
    col3h = col.reshape(NW, nch_h, CHUNK)
    nch_s = e // (NS * CHUNK)
    col3 = col.reshape(NS, nch_s, CHUNK)
    row4 = jnp.stack([row, row + n]).reshape(NC, NS, nch_s, CHUNK)

    degf = _make_hist(e, npad)(col3h)
    degp = degf.reshape(NC, npad)
    dis = lax.rsqrt(degp[0, :n] + degp[1, :n] + 1.0)[:, None]

    b1r = b1.reshape(1, h)
    b2r = b2.reshape(1, h)
    a1r = prelu_a.reshape(1, 1)
    a2r = prelu_a2.reshape(1, 1)

    g1 = pl.pallas_call(
        _tc_g1, out_shape=jax.ShapeDtypeStruct((n, h), jnp.float32),
    )(x, W1, dis)

    scat = _make_scatter(n, hh, e)
    s1 = _from_split(scat(_to_split(g1, n, hh), row4, col3), n, hh)

    g2 = pl.pallas_call(
        _tc_mid, out_shape=jax.ShapeDtypeStruct((n, h), jnp.float32),
    )(s1, g1, dis, b1r, a1r, W2)

    s2 = _from_split(scat(_to_split(g2, n, hh), row4, col3), n, hh)

    z, p = pl.pallas_call(
        _tc_fin,
        out_shape=[jax.ShapeDtypeStruct((n, h), jnp.float32),
                   jax.ShapeDtypeStruct((n, h), jnp.float32)],
    )(s2, g2, dis, b2r, a1r, bn_g.reshape(1, h), bn_b.reshape(1, h),
      pW, pb.reshape(1, h), pbn_g.reshape(1, h), pbn_b.reshape(1, h), a2r)

    return (z, p)

# --- scband reference (transcript-rebuilt; emitter-appended) ---
"""Pipeline reference for scband-gconv-1288490189508 (READ-ONLY COPY).

The authoritative reference and input builder live on the scoring server;
editing this copy changes nothing except your own understanding.
"""

import jax, jax.numpy as jnp
import numpy as np

N = 10000
E = 320000
D = 128
H = 128


def setup_inputs(seed: int = 0) -> dict:
    key = jax.random.key(seed)
    ks = jax.random.split(key, 16)
    x = jax.random.normal(ks[0], (N, D), dtype=jnp.float32)
    edge_index = jax.random.randint(ks[1], (2, E), 0, N, dtype=jnp.int32)
    s1 = 1.0 / np.sqrt(D)
    s2 = 1.0 / np.sqrt(H)
    W1 = jax.random.normal(ks[2], (D, H), dtype=jnp.float32) * s1
    b1 = jnp.zeros((H,), dtype=jnp.float32)
    W2 = jax.random.normal(ks[3], (H, H), dtype=jnp.float32) * s2
    b2 = jnp.zeros((H,), dtype=jnp.float32)
    prelu_a = jnp.asarray(0.25, dtype=jnp.float32)
    bn_g = jnp.ones((H,), dtype=jnp.float32)
    bn_b = jnp.zeros((H,), dtype=jnp.float32)
    pW = jax.random.normal(ks[4], (H, H), dtype=jnp.float32) * s2
    pb = jnp.zeros((H,), dtype=jnp.float32)
    pbn_g = jnp.ones((H,), dtype=jnp.float32)
    pbn_b = jnp.zeros((H,), dtype=jnp.float32)
    prelu_a2 = jnp.asarray(0.25, dtype=jnp.float32)
    return {"x": x, "edge_index": edge_index, "W1": W1, "b1": b1, "W2": W2, "b2": b2,
            "prelu_a": prelu_a, "bn_g": bn_g, "bn_b": bn_b, "pW": pW, "pb": pb,
            "pbn_g": pbn_g, "pbn_b": pbn_b, "prelu_a2": prelu_a2}


def _prelu(x, a):
    return jnp.where(x >= 0, x, a * x)


def _batchnorm(x, g, b, eps=1e-5):
    m = x.mean(axis=0)
    v = x.var(axis=0)
    return (x - m) / jnp.sqrt(v + eps) * g + b


def _gcn_conv(x, edge_index, W, b):
    # PyG GCNConv: linear transform, add self loops, symmetric normalization, scatter-add aggregate
    h = x @ W
    n = h.shape[0]
    row = edge_index[0]
    col = edge_index[1]
    loop = jnp.arange(n, dtype=row.dtype)
    row = jnp.concatenate([row, loop])
    col = jnp.concatenate([col, loop])
    ew = jnp.ones(row.shape[0], dtype=h.dtype)
    deg = jnp.zeros((n,), dtype=h.dtype).at[col].add(ew)
    dis = jnp.where(deg > 0, 1.0 / jnp.sqrt(deg), 0.0)
    norm = dis[row] * ew * dis[col]
    msg = h[row] * norm[:, None]
    out = jnp.zeros_like(h).at[col].add(msg)
    return out + b


def reference(x, edge_index, W1, b1, W2, b2, prelu_a, bn_g, bn_b, pW, pb, pbn_g, pbn_b, prelu_a2):
    # dropout is treated as identity (deterministic reference)
    z = _prelu(_gcn_conv(x, edge_index, W1, b1), prelu_a)
    z = _prelu(_gcn_conv(z, edge_index, W2, b2), prelu_a)
    z = _batchnorm(z, bn_g, bn_b)
    p = _prelu(_batchnorm(z @ pW + pb, pbn_g, pbn_b), prelu_a2)
    return (z, p)

if __name__ == "__main__":
    import jax
    _d = setup_inputs()
    print(jax.jit(kernel)(*tuple(_d.values())))

</pallas_src>

<mosaic_0001>
#map = affine_map<(d0, d1) -> (0, 0, 0)>
#map1 = affine_map<(d0, d1) -> (0)>
module attributes {stable_mosaic.version = 14 : i64} {
  func.func @_hist_body(%arg0: i32, %arg1: i32, %arg2: memref<32x125x80xi32, #tpu.memory_space<hbm>>, %arg3: memref<20480xf32, #tpu.memory_space<hbm>>, %arg4: memref<125x80xi32, #tpu.memory_space<vmem>>, %arg5: memref<80xf32, #tpu.memory_space<vmem>>, %arg6: memref<640xf32, #tpu.memory_space<vmem>>, %arg7: memref<10240xf32, #tpu.memory_space<vmem_shared>>) attributes {dimension_semantics = [#tpu.dimension_semantics<core_parallel>, #tpu.dimension_semantics<subcore_parallel>], iteration_bounds = array<i64: 2, 16>, scalar_prefetch = 0 : i64, scratch_operands = 4 : i64, tpu.core_type = #tpu.core_type<sc_vector_subcore>, window_params = [{transform_indices = #map}, {transform_indices = #map1}]} {
    %mul3A = arith.constant 16 : i32
    %mul3A_0 = arith.muli %arg0, %mul3A : i32
    %add3A = arith.addi %mul3A_0, %arg1 : i32
    %broadcast_in_dim3A = arith.constant 0.000000e+00 : f32
    %broadcast_in_dim3A_1 = vector.broadcast %broadcast_in_dim3A : f32 to vector<16xf32>
    %broadcast_in_dim3A_2 = arith.constant 1.000000e+00 : f32
    %broadcast_in_dim3A_3 = vector.broadcast %broadcast_in_dim3A_2 : f32 to vector<16xf32>
    %swap3A = arith.constant 0 : index
    %swap3A_4 = tpu.vector_load %arg5[%swap3A] {strides = array<i32>} : memref<80xf32, #tpu.memory_space<vmem>>, vector<16xf32>,
    %swap3A_5 = vector.shape_cast %swap3A_4 : vector<16xf32> to vector<16xf32>
    %swap3A_6 = vector.shape_cast %broadcast_in_dim3A_3 : vector<16xf32> to vector<16xf32>
    tpu.vector_store %arg5[%swap3A], %swap3A_6 {strides = array<i32>} : memref<80xf32, #tpu.memory_space<vmem>>, vector<16xf32>,
    %swap3A_7 = arith.constant 16 : index
    %swap3A_8 = tpu.vector_load %arg5[%swap3A_7] {strides = array<i32>} : memref<80xf32, #tpu.memory_space<vmem>>, vector<16xf32>,
    %swap3A_9 = vector.shape_cast %swap3A_8 : vector<16xf32> to vector<16xf32>
    %swap3A_10 = vector.shape_cast %broadcast_in_dim3A_3 : vector<16xf32> to vector<16xf32>
    tpu.vector_store %arg5[%swap3A_7], %swap3A_10 {strides = array<i32>} : memref<80xf32, #tpu.memory_space<vmem>>, vector<16xf32>,
    %swap3A_11 = arith.constant 32 : index
    %swap3A_12 = tpu.vector_load %arg5[%swap3A_11] {strides = array<i32>} : memref<80xf32, #tpu.memory_space<vmem>>, vector<16xf32>,
    %swap3A_13 = vector.shape_cast %swap3A_12 : vector<16xf32> to vector<16xf32>
    %swap3A_14 = vector.shape_cast %broadcast_in_dim3A_3 : vector<16xf32> to vector<16xf32>
    tpu.vector_store %arg5[%swap3A_11], %swap3A_14 {strides = array<i32>} : memref<80xf32, #tpu.memory_space<vmem>>, vector<16xf32>,
    %swap3A_15 = arith.constant 48 : index
    %swap3A_16 = tpu.vector_load %arg5[%swap3A_15] {strides = array<i32>} : memref<80xf32, #tpu.memory_space<vmem>>, vector<16xf32>,
    %swap3A_17 = vector.shape_cast %swap3A_16 : vector<16xf32> to vector<16xf32>
    %swap3A_18 = vector.shape_cast %broadcast_in_dim3A_3 : vector<16xf32> to vector<16xf32>
    tpu.vector_store %arg5[%swap3A_15], %swap3A_18 {strides = array<i32>} : memref<80xf32, #tpu.memory_space<vmem>>, vector<16xf32>,
    %swap3A_19 = arith.constant 64 : index
    %swap3A_20 = tpu.vector_load %arg5[%swap3A_19] {strides = array<i32>} : memref<80xf32, #tpu.memory_space<vmem>>, vector<16xf32>,
    %swap3A_21 = vector.shape_cast %swap3A_20 : vector<16xf32> to vector<16xf32>
    %swap3A_22 = vector.shape_cast %broadcast_in_dim3A_3 : vector<16xf32> to vector<16xf32>
    tpu.vector_store %arg5[%swap3A_19], %swap3A_22 {strides = array<i32>} : memref<80xf32, #tpu.memory_space<vmem>>, vector<16xf32>,
    %scan3A = arith.constant 0 : i32
    %scan3A_23 = arith.constant 0 : i32
    %scan3A_24 = arith.constant 40 : i32
    %scan3A_25 = arith.addi %scan3A_23, %scan3A_24 : i32
    %scan3A_26 = arith.constant 1 : i32
    scf.for %scan3A_41 = %scan3A_23 to %scan3A_25 step %scan3A_26  : i32 {
      %mul3A_42 = arith.constant 16 : i32
      %mul3A_43 = arith.muli %scan3A_41, %mul3A_42 : i32
      %swap3A_44 = arith.index_cast %mul3A_43 : i32 to index
      %swap3A_45 = tpu.vector_load %arg6[%swap3A_44] {strides = array<i32>} : memref<640xf32, #tpu.memory_space<vmem>>, vector<16xf32>,
      %swap3A_46 = vector.shape_cast %swap3A_45 : vector<16xf32> to vector<16xf32>
      %swap3A_47 = vector.shape_cast %broadcast_in_dim3A_1 : vector<16xf32> to vector<16xf32>
      tpu.vector_store %arg6[%swap3A_44], %swap3A_47 {strides = array<i32>} : memref<640xf32, #tpu.memory_space<vmem>>, vector<16xf32>,
    }
    %scan3A_27 = arith.constant 40 : i32
    %mul3A_28 = arith.constant 640 : i32
    %mul3A_29 = arith.muli %arg1, %mul3A_28 : i32
    "tpu.region"() ({
      %run_scoped3A = tpu.sem_alloc : memref<!tpu.dma_semaphore, #tpu.memory_space<semaphore_mem>>
      %dma_start3A = tpu.memref_slice %arg7[%mul3A_29] : memref<10240xf32, #tpu.memory_space<vmem_shared>> -> memref<640xf32, #tpu.memory_space<vmem_shared>>
      %dma_start3A_41 = tpu.memref_slice %arg7[%mul3A_29] : memref<10240xf32, #tpu.memory_space<vmem_shared>> -> memref<640xf32, #tpu.memory_space<vmem_shared>>
      tpu.enqueue_dma source(%arg6 : memref<640xf32, #tpu.memory_space<vmem>>) target(%dma_start3A_41 : memref<640xf32, #tpu.memory_space<vmem_shared>>) target_semaphore(%run_scoped3A : memref<!tpu.dma_semaphore, #tpu.memory_space<semaphore_mem>>)
      %dma_wait3A = tpu.memref_slice %arg7[%mul3A_29] : memref<10240xf32, #tpu.memory_space<vmem_shared>> -> memref<640xf32, #tpu.memory_space<vmem_shared>>
      %dma_wait3A_42 = tpu.memref_slice %arg7[%mul3A_29] : memref<10240xf32, #tpu.memory_space<vmem_shared>> -> memref<640xf32, #tpu.memory_space<vmem_shared>>
      tpu.wait_dma2 semaphore(%run_scoped3A : memref<!tpu.dma_semaphore, #tpu.memory_space<semaphore_mem>>) src(%arg6 : memref<640xf32, #tpu.memory_space<vmem>>) dst(%dma_wait3A_42 : memref<640xf32, #tpu.memory_space<vmem_shared>>)
      tpu.yield
    }) : () -> ()
    %barrier3A = arith.constant 0 : index
    tpu.barrier barrier_id(%barrier3A)
    "tpu.region"() ({
      %run_scoped3A = tpu.sem_alloc : memref<!tpu.dma_semaphore, #tpu.memory_space<semaphore_mem>>
      %dma_start3A = arith.constant 0 : i32
      %dma_start3A_41 = arith.constant 0 : i32
      %dma_start3A_42 = tpu.memref_slice %arg2[%add3A, %dma_start3A, %dma_start3A_41] : memref<32x125x80xi32, #tpu.memory_space<hbm>> -> memref<1x125x80xi32, #tpu.memory_space<hbm>>
      %dma_start3A_43 = tpu.memref_squeeze %dma_start3A_42 : memref<1x125x80xi32, #tpu.memory_space<hbm>> -> memref<125x80xi32, #tpu.memory_space<hbm>>
      %dma_start3A_44 = arith.constant 0 : i32
      %dma_start3A_45 = arith.constant 0 : i32
      %dma_start3A_46 = tpu.memref_slice %arg2[%add3A, %dma_start3A_44, %dma_start3A_45] : memref<32x125x80xi32, #tpu.memory_space<hbm>> -> memref<1x125x80xi32, #tpu.memory_space<hbm>>
      %dma_start3A_47 = tpu.memref_squeeze %dma_start3A_46 : memref<1x125x80xi32, #tpu.memory_space<hbm>> -> memref<125x80xi32, #tpu.memory_space<hbm>>
      tpu.enqueue_dma source(%dma_start3A_47 : memref<125x80xi32, #tpu.memory_space<hbm>>) target(%arg4 : memref<125x80xi32, #tpu.memory_space<vmem>>) target_semaphore(%run_scoped3A : memref<!tpu.dma_semaphore, #tpu.memory_space<semaphore_mem>>)
      %dma_wait3A = arith.constant 0 : i32
      %dma_wait3A_48 = arith.constant 0 : i32
      %dma_wait3A_49 = tpu.memref_slice %arg2[%add3A, %dma_wait3A, %dma_wait3A_48] : memref<32x125x80xi32, #tpu.memory_space<hbm>> -> memref<1x125x80xi32, #tpu.memory_space<hbm>>
      %dma_wait3A_50 = tpu.memref_squeeze %dma_wait3A_49 : memref<1x125x80xi32, #tpu.memory_space<hbm>> -> memref<125x80xi32, #tpu.memory_space<hbm>>
      %dma_wait3A_51 = arith.constant 0 : i32
      %dma_wait3A_52 = arith.constant 0 : i32
      %dma_wait3A_53 = tpu.memref_slice %arg2[%add3A, %dma_wait3A_51, %dma_wait3A_52] : memref<32x125x80xi32, #tpu.memory_space<hbm>> -> memref<1x125x80xi32, #tpu.memory_space<hbm>>
      %dma_wait3A_54 = tpu.memref_squeeze %dma_wait3A_53 : memref<1x125x80xi32, #tpu.memory_space<hbm>> -> memref<125x80xi32, #tpu.memory_space<hbm>>
      tpu.wait_dma2 semaphore(%run_scoped3A : memref<!tpu.dma_semaphore, #tpu.memory_space<semaphore_mem>>) src(%dma_wait3A_54 : memref<125x80xi32, #tpu.memory_space<hbm>>) dst(%arg4 : memref<125x80xi32, #tpu.memory_space<vmem>>)
      tpu.yield
    }) : () -> ()
    %scan3A_30 = arith.constant 0 : i32
    %scan3A_31 = arith.constant 0 : i32
    %scan3A_32 = arith.constant 125 : i32
    %scan3A_33 = arith.addi %scan3A_31, %scan3A_32 : i32
    %scan3A_34 = arith.constant 1 : i32
    scf.for %scan3A_41 = %scan3A_31 to %scan3A_33 step %scan3A_34  : i32 {
      "tpu.region"() ({
        %run_scoped3A = tpu.sem_alloc : memref<!tpu.dma_semaphore, #tpu.memory_space<semaphore_mem>>
        %dma_start3A = arith.constant 0 : i32
        %dma_start3A_42 = tpu.memref_slice %arg4[%scan3A_41, %dma_start3A] : memref<125x80xi32, #tpu.memory_space<vmem>> -> memref<1x80xi32, #tpu.memory_space<vmem>>
        %dma_start3A_43 = tpu.memref_squeeze %dma_start3A_42 : memref<1x80xi32, #tpu.memory_space<vmem>> -> memref<80xi32, #tpu.memory_space<vmem>>
        %dma_start3A_44 = arith.constant 0 : i32
        %dma_start3A_45 = tpu.memref_slice %arg7[%dma_start3A_44] : memref<10240xf32, #tpu.memory_space<vmem_shared>> -> memref<10240xf32, #tpu.memory_space<vmem_shared>>
        tpu.enqueue_indirect_dma source(%arg5 : memref<80xf32, #tpu.memory_space<vmem>>) target(%dma_start3A_45 : memref<10240xf32, #tpu.memory_space<vmem_shared>>) offsets(%dma_start3A_43 : memref<80xi32, #tpu.memory_space<vmem>>) semaphore(%run_scoped3A : memref<!tpu.dma_semaphore, #tpu.memory_space<semaphore_mem>>) {add = true}
        %dma_wait3A = arith.constant 0 : i32
        %dma_wait3A_46 = tpu.memref_slice %arg4[%scan3A_41, %dma_wait3A] : memref<125x80xi32, #tpu.memory_space<vmem>> -> memref<1x80xi32, #tpu.memory_space<vmem>>
        %dma_wait3A_47 = tpu.memref_squeeze %dma_wait3A_46 : memref<1x80xi32, #tpu.memory_space<vmem>> -> memref<80xi32, #tpu.memory_space<vmem>>
        %dma_wait3A_48 = arith.constant 0 : i32
        %dma_wait3A_49 = tpu.memref_slice %arg7[%dma_wait3A_48] : memref<10240xf32, #tpu.memory_space<vmem_shared>> -> memref<10240xf32, #tpu.memory_space<vmem_shared>>
        tpu.wait_indirect_dma semaphore(%run_scoped3A : memref<!tpu.dma_semaphore, #tpu.memory_space<semaphore_mem>>) src(%arg5 : memref<80xf32, #tpu.memory_space<vmem>>) dst(%dma_wait3A_49 : memref<10240xf32, #tpu.memory_space<vmem_shared>>)
        tpu.yield
      }) : () -> ()
    }
    %scan3A_35 = arith.constant 125 : i32
    %barrier3A_36 = arith.constant 0 : index
    tpu.barrier barrier_id(%barrier3A_36)
    %mul3A_37 = arith.constant 640 : i32
    %mul3A_38 = arith.muli %arg1, %mul3A_37 : i32
    %mul3A_39 = arith.constant 640 : i32
    %mul3A_40 = arith.muli %add3A, %mul3A_39 : i32
    "tpu.region"() ({
      %run_scoped3A = tpu.sem_alloc : memref<!tpu.dma_semaphore, #tpu.memory_space<semaphore_mem>>
      %dma_start3A = tpu.memref_slice %arg3[%mul3A_40] : memref<20480xf32, #tpu.memory_space<hbm>> -> memref<640xf32, #tpu.memory_space<hbm>>
      %dma_start3A_41 = tpu.memref_slice %arg7[%mul3A_38] : memref<10240xf32, #tpu.memory_space<vmem_shared>> -> memref<640xf32, #tpu.memory_space<vmem_shared>>
      tpu.enqueue_dma source(%dma_start3A_41 : memref<640xf32, #tpu.memory_space<vmem_shared>>) target(%dma_start3A : memref<640xf32, #tpu.memory_space<hbm>>) target_semaphore(%run_scoped3A : memref<!tpu.dma_semaphore, #tpu.memory_space<semaphore_mem>>)
      %dma_wait3A = tpu.memref_slice %arg3[%mul3A_40] : memref<20480xf32, #tpu.memory_space<hbm>> -> memref<640xf32, #tpu.memory_space<hbm>>
      %dma_wait3A_42 = tpu.memref_slice %arg7[%mul3A_38] : memref<10240xf32, #tpu.memory_space<vmem_shared>> -> memref<640xf32, #tpu.memory_space<vmem_shared>>
      tpu.wait_dma2 semaphore(%run_scoped3A : memref<!tpu.dma_semaphore, #tpu.memory_space<semaphore_mem>>) src(%dma_wait3A_42 : memref<640xf32, #tpu.memory_space<vmem_shared>>) dst(%dma_wait3A : memref<640xf32, #tpu.memory_space<hbm>>)
      tpu.yield
    }) : () -> ()
    return
  }
}

#map = affine_map<(d0, d1) -> (0, 0)>
#map1 = affine_map<(d0, d1) -> (0, 0, 0, 0)>
#map2 = affine_map<(d0, d1) -> (0, 0, 0)>
module attributes {stable_mosaic.version = 14 : i64} {
  func.func @_scatter_body(%arg0: i32, %arg1: i32, %arg2: memref<20000x64xf32, #tpu.memory_space<hbm>>, %arg3: memref<2x16x250x80xi32, #tpu.memory_space<hbm>>, %arg4: memref<16x250x80xi32, #tpu.memory_space<hbm>>, %arg5: memref<2x16x625x64xf32, #tpu.memory_space<hbm>>, %arg6: memref<250x80xi32, #tpu.memory_space<vmem>>, %arg7: memref<250x80xi32, #tpu.memory_space<vmem>>, %arg8: memref<80x64xf32, #tpu.memory_space<vmem>>, %arg9: memref<80x64xf32, #tpu.memory_space<vmem>>, %arg10: memref<125x64xf32, #tpu.memory_space<vmem>>, %arg11: memref<10000x64xf32, #tpu.memory_space<vmem_shared>>, %arg12: memref<!tpu.dma_semaphore, #tpu.memory_space<semaphore_mem>>, %arg13: memref<!tpu.dma_semaphore, #tpu.memory_space<semaphore_mem>>) attributes {dimension_semantics = [#tpu.dimension_semantics<core_parallel>, #tpu.dimension_semantics<subcore_parallel>], iteration_bounds = array<i64: 2, 16>, scalar_prefetch = 0 : i64, scratch_operands = 8 : i64, tpu.core_type = #tpu.core_type<sc_vector_subcore>, window_params = [{transform_indices = #map}, {transform_indices = #map1}, {transform_indices = #map2}, {transform_indices = #map1}]} {
    %broadcast_in_dim3A = arith.constant 0.000000e+00 : f32
    %broadcast_in_dim3A_0 = vector.broadcast %broadcast_in_dim3A : f32 to vector<16xf32>
    %scan3A = arith.constant 0 : i32
    %scan3A_1 = arith.constant 0 : i32
    %scan3A_2 = arith.constant 125 : i32
    %scan3A_3 = arith.addi %scan3A_1, %scan3A_2 : i32
    %scan3A_4 = arith.constant 1 : i32
    scf.for %scan3A_33 = %scan3A_1 to %scan3A_3 step %scan3A_4  : i32 {
      %swap3A = arith.index_cast %scan3A_33 : i32 to index
      %swap3A_34 = arith.constant 0 : index
      %swap3A_35 = tpu.vector_load %arg10[%swap3A, %swap3A_34] {strides = array<i32>} : memref<125x64xf32, #tpu.memory_space<vmem>>, vector<1x16xf32>,
      %swap3A_36 = vector.shape_cast %swap3A_35 : vector<1x16xf32> to vector<16xf32>
      %swap3A_37 = vector.shape_cast %broadcast_in_dim3A_0 : vector<16xf32> to vector<1x16xf32>
      tpu.vector_store %arg10[%swap3A, %swap3A_34], %swap3A_37 {strides = array<i32>} : memref<125x64xf32, #tpu.memory_space<vmem>>, vector<1x16xf32>,
      %swap3A_38 = arith.index_cast %scan3A_33 : i32 to index
      %swap3A_39 = arith.constant 16 : index
      %swap3A_40 = tpu.vector_load %arg10[%swap3A_38, %swap3A_39] {strides = array<i32>} : memref<125x64xf32, #tpu.memory_space<vmem>>, vector<1x16xf32>,
      %swap3A_41 = vector.shape_cast %swap3A_40 : vector<1x16xf32> to vector<16xf32>
      %swap3A_42 = vector.shape_cast %broadcast_in_dim3A_0 : vector<16xf32> to vector<1x16xf32>
      tpu.vector_store %arg10[%swap3A_38, %swap3A_39], %swap3A_42 {strides = array<i32>} : memref<125x64xf32, #tpu.memory_space<vmem>>, vector<1x16xf32>,
      %swap3A_43 = arith.index_cast %scan3A_33 : i32 to index
      %swap3A_44 = arith.constant 32 : index
      %swap3A_45 = tpu.vector_load %arg10[%swap3A_43, %swap3A_44] {strides = array<i32>} : memref<125x64xf32, #tpu.memory_space<vmem>>, vector<1x16xf32>,
      %swap3A_46 = vector.shape_cast %swap3A_45 : vector<1x16xf32> to vector<16xf32>
      %swap3A_47 = vector.shape_cast %broadcast_in_dim3A_0 : vector<16xf32> to vector<1x16xf32>
      tpu.vector_store %arg10[%swap3A_43, %swap3A_44], %swap3A_47 {strides = array<i32>} : memref<125x64xf32, #tpu.memory_space<vmem>>, vector<1x16xf32>,
      %swap3A_48 = arith.index_cast %scan3A_33 : i32 to index
      %swap3A_49 = arith.constant 48 : index
      %swap3A_50 = tpu.vector_load %arg10[%swap3A_48, %swap3A_49] {strides = array<i32>} : memref<125x64xf32, #tpu.memory_space<vmem>>, vector<1x16xf32>,
      %swap3A_51 = vector.shape_cast %swap3A_50 : vector<1x16xf32> to vector<16xf32>
      %swap3A_52 = vector.shape_cast %broadcast_in_dim3A_0 : vector<16xf32> to vector<1x16xf32>
      tpu.vector_store %arg10[%swap3A_48, %swap3A_49], %swap3A_52 {strides = array<i32>} : memref<125x64xf32, #tpu.memory_space<vmem>>, vector<1x16xf32>,
    }
    %scan3A_5 = arith.constant 125 : i32
    %mul3A = arith.constant 625 : i32
    %mul3A_6 = arith.muli %arg1, %mul3A : i32
    %add3A = arith.constant 0 : i32
    %add3A_7 = arith.addi %mul3A_6, %add3A : i32
    "tpu.region"() ({
      %run_scoped3A = tpu.sem_alloc : memref<!tpu.dma_semaphore, #tpu.memory_space<semaphore_mem>>
      %dma_start3A = arith.constant 0 : i32
      %dma_start3A_33 = tpu.memref_slice %arg11[%add3A_7, %dma_start3A] : memref<10000x64xf32, #tpu.memory_space<vmem_shared>> -> memref<125x64xf32, #tpu.memory_space<vmem_shared>>
      %dma_start3A_34 = arith.constant 0 : i32
      %dma_start3A_35 = tpu.memref_slice %arg11[%add3A_7, %dma_start3A_34] : memref<10000x64xf32, #tpu.memory_space<vmem_shared>> -> memref<125x64xf32, #tpu.memory_space<vmem_shared>>
      tpu.enqueue_dma source(%arg10 : memref<125x64xf32, #tpu.memory_space<vmem>>) target(%dma_start3A_35 : memref<125x64xf32, #tpu.memory_space<vmem_shared>>) target_semaphore(%run_scoped3A : memref<!tpu.dma_semaphore, #tpu.memory_space<semaphore_mem>>)
      %dma_wait3A = arith.constant 0 : i32
      %dma_wait3A_36 = tpu.memref_slice %arg11[%add3A_7, %dma_wait3A] : memref<10000x64xf32, #tpu.memory_space<vmem_shared>> -> memref<125x64xf32, #tpu.memory_space<vmem_shared>>
      %dma_wait3A_37 = arith.constant 0 : i32
      %dma_wait3A_38 = tpu.memref_slice %arg11[%add3A_7, %dma_wait3A_37] : memref<10000x64xf32, #tpu.memory_space<vmem_shared>> -> memref<125x64xf32, #tpu.memory_space<vmem_shared>>
      tpu.wait_dma2 semaphore(%run_scoped3A : memref<!tpu.dma_semaphore, #tpu.memory_space<semaphore_mem>>) src(%arg10 : memref<125x64xf32, #tpu.memory_space<vmem>>) dst(%dma_wait3A_38 : memref<125x64xf32, #tpu.memory_space<vmem_shared>>)
      tpu.yield
    }) : () -> ()
    %mul3A_8 = arith.constant 625 : i32
    %mul3A_9 = arith.muli %arg1, %mul3A_8 : i32
    %add3A_10 = arith.constant 125 : i32
    %add3A_11 = arith.addi %mul3A_9, %add3A_10 : i32
    "tpu.region"() ({
      %run_scoped3A = tpu.sem_alloc : memref<!tpu.dma_semaphore, #tpu.memory_space<semaphore_mem>>
      %dma_start3A = arith.constant 0 : i32
      %dma_start3A_33 = tpu.memref_slice %arg11[%add3A_11, %dma_start3A] : memref<10000x64xf32, #tpu.memory_space<vmem_shared>> -> memref<125x64xf32, #tpu.memory_space<vmem_shared>>
      %dma_start3A_34 = arith.constant 0 : i32
      %dma_start3A_35 = tpu.memref_slice %arg11[%add3A_11, %dma_start3A_34] : memref<10000x64xf32, #tpu.memory_space<vmem_shared>> -> memref<125x64xf32, #tpu.memory_space<vmem_shared>>
      tpu.enqueue_dma source(%arg10 : memref<125x64xf32, #tpu.memory_space<vmem>>) target(%dma_start3A_35 : memref<125x64xf32, #tpu.memory_space<vmem_shared>>) target_semaphore(%run_scoped3A : memref<!tpu.dma_semaphore, #tpu.memory_space<semaphore_mem>>)
      %dma_wait3A = arith.constant 0 : i32
      %dma_wait3A_36 = tpu.memref_slice %arg11[%add3A_11, %dma_wait3A] : memref<10000x64xf32, #tpu.memory_space<vmem_shared>> -> memref<125x64xf32, #tpu.memory_space<vmem_shared>>
      %dma_wait3A_37 = arith.constant 0 : i32
      %dma_wait3A_38 = tpu.memref_slice %arg11[%add3A_11, %dma_wait3A_37] : memref<10000x64xf32, #tpu.memory_space<vmem_shared>> -> memref<125x64xf32, #tpu.memory_space<vmem_shared>>
      tpu.wait_dma2 semaphore(%run_scoped3A : memref<!tpu.dma_semaphore, #tpu.memory_space<semaphore_mem>>) src(%arg10 : memref<125x64xf32, #tpu.memory_space<vmem>>) dst(%dma_wait3A_38 : memref<125x64xf32, #tpu.memory_space<vmem_shared>>)
      tpu.yield
    }) : () -> ()
    %mul3A_12 = arith.constant 625 : i32
    %mul3A_13 = arith.muli %arg1, %mul3A_12 : i32
    %add3A_14 = arith.constant 250 : i32
    %add3A_15 = arith.addi %mul3A_13, %add3A_14 : i32
    "tpu.region"() ({
      %run_scoped3A = tpu.sem_alloc : memref<!tpu.dma_semaphore, #tpu.memory_space<semaphore_mem>>
      %dma_start3A = arith.constant 0 : i32
      %dma_start3A_33 = tpu.memref_slice %arg11[%add3A_15, %dma_start3A] : memref<10000x64xf32, #tpu.memory_space<vmem_shared>> -> memref<125x64xf32, #tpu.memory_space<vmem_shared>>
      %dma_start3A_34 = arith.constant 0 : i32
      %dma_start3A_35 = tpu.memref_slice %arg11[%add3A_15, %dma_start3A_34] : memref<10000x64xf32, #tpu.memory_space<vmem_shared>> -> memref<125x64xf32, #tpu.memory_space<vmem_shared>>
      tpu.enqueue_dma source(%arg10 : memref<125x64xf32, #tpu.memory_space<vmem>>) target(%dma_start3A_35 : memref<125x64xf32, #tpu.memory_space<vmem_shared>>) target_semaphore(%run_scoped3A : memref<!tpu.dma_semaphore, #tpu.memory_space<semaphore_mem>>)
      %dma_wait3A = arith.constant 0 : i32
      %dma_wait3A_36 = tpu.memref_slice %arg11[%add3A_15, %dma_wait3A] : memref<10000x64xf32, #tpu.memory_space<vmem_shared>> -> memref<125x64xf32, #tpu.memory_space<vmem_shared>>
      %dma_wait3A_37 = arith.constant 0 : i32
      %dma_wait3A_38 = tpu.memref_slice %arg11[%add3A_15, %dma_wait3A_37] : memref<10000x64xf32, #tpu.memory_space<vmem_shared>> -> memref<125x64xf32, #tpu.memory_space<vmem_shared>>
      tpu.wait_dma2 semaphore(%run_scoped3A : memref<!tpu.dma_semaphore, #tpu.memory_space<semaphore_mem>>) src(%arg10 : memref<125x64xf32, #tpu.memory_space<vmem>>) dst(%dma_wait3A_38 : memref<125x64xf32, #tpu.memory_space<vmem_shared>>)
      tpu.yield
    }) : () -> ()
    %mul3A_16 = arith.constant 625 : i32
    %mul3A_17 = arith.muli %arg1, %mul3A_16 : i32
    %add3A_18 = arith.constant 375 : i32
    %add3A_19 = arith.addi %mul3A_17, %add3A_18 : i32
    "tpu.region"() ({
      %run_scoped3A = tpu.sem_alloc : memref<!tpu.dma_semaphore, #tpu.memory_space<semaphore_mem>>
      %dma_start3A = arith.constant 0 : i32
      %dma_start3A_33 = tpu.memref_slice %arg11[%add3A_19, %dma_start3A] : memref<10000x64xf32, #tpu.memory_space<vmem_shared>> -> memref<125x64xf32, #tpu.memory_space<vmem_shared>>
      %dma_start3A_34 = arith.constant 0 : i32
      %dma_start3A_35 = tpu.memref_slice %arg11[%add3A_19, %dma_start3A_34] : memref<10000x64xf32, #tpu.memory_space<vmem_shared>> -> memref<125x64xf32, #tpu.memory_space<vmem_shared>>
      tpu.enqueue_dma source(%arg10 : memref<125x64xf32, #tpu.memory_space<vmem>>) target(%dma_start3A_35 : memref<125x64xf32, #tpu.memory_space<vmem_shared>>) target_semaphore(%run_scoped3A : memref<!tpu.dma_semaphore, #tpu.memory_space<semaphore_mem>>)
      %dma_wait3A = arith.constant 0 : i32
      %dma_wait3A_36 = tpu.memref_slice %arg11[%add3A_19, %dma_wait3A] : memref<10000x64xf32, #tpu.memory_space<vmem_shared>> -> memref<125x64xf32, #tpu.memory_space<vmem_shared>>
      %dma_wait3A_37 = arith.constant 0 : i32
      %dma_wait3A_38 = tpu.memref_slice %arg11[%add3A_19, %dma_wait3A_37] : memref<10000x64xf32, #tpu.memory_space<vmem_shared>> -> memref<125x64xf32, #tpu.memory_space<vmem_shared>>
      tpu.wait_dma2 semaphore(%run_scoped3A : memref<!tpu.dma_semaphore, #tpu.memory_space<semaphore_mem>>) src(%arg10 : memref<125x64xf32, #tpu.memory_space<vmem>>) dst(%dma_wait3A_38 : memref<125x64xf32, #tpu.memory_space<vmem_shared>>)
      tpu.yield
    }) : () -> ()
    %mul3A_20 = arith.constant 625 : i32
    %mul3A_21 = arith.muli %arg1, %mul3A_20 : i32
    %add3A_22 = arith.constant 500 : i32
    %add3A_23 = arith.addi %mul3A_21, %add3A_22 : i32
    "tpu.region"() ({
      %run_scoped3A = tpu.sem_alloc : memref<!tpu.dma_semaphore, #tpu.memory_space<semaphore_mem>>
      %dma_start3A = arith.constant 0 : i32
      %dma_start3A_33 = tpu.memref_slice %arg11[%add3A_23, %dma_start3A] : memref<10000x64xf32, #tpu.memory_space<vmem_shared>> -> memref<125x64xf32, #tpu.memory_space<vmem_shared>>
      %dma_start3A_34 = arith.constant 0 : i32
      %dma_start3A_35 = tpu.memref_slice %arg11[%add3A_23, %dma_start3A_34] : memref<10000x64xf32, #tpu.memory_space<vmem_shared>> -> memref<125x64xf32, #tpu.memory_space<vmem_shared>>
      tpu.enqueue_dma source(%arg10 : memref<125x64xf32, #tpu.memory_space<vmem>>) target(%dma_start3A_35 : memref<125x64xf32, #tpu.memory_space<vmem_shared>>) target_semaphore(%run_scoped3A : memref<!tpu.dma_semaphore, #tpu.memory_space<semaphore_mem>>)
      %dma_wait3A = arith.constant 0 : i32
      %dma_wait3A_36 = tpu.memref_slice %arg11[%add3A_23, %dma_wait3A] : memref<10000x64xf32, #tpu.memory_space<vmem_shared>> -> memref<125x64xf32, #tpu.memory_space<vmem_shared>>
      %dma_wait3A_37 = arith.constant 0 : i32
      %dma_wait3A_38 = tpu.memref_slice %arg11[%add3A_23, %dma_wait3A_37] : memref<10000x64xf32, #tpu.memory_space<vmem_shared>> -> memref<125x64xf32, #tpu.memory_space<vmem_shared>>
      tpu.wait_dma2 semaphore(%run_scoped3A : memref<!tpu.dma_semaphore, #tpu.memory_space<semaphore_mem>>) src(%arg10 : memref<125x64xf32, #tpu.memory_space<vmem>>) dst(%dma_wait3A_38 : memref<125x64xf32, #tpu.memory_space<vmem_shared>>)
      tpu.yield
    }) : () -> ()
    %barrier3A = arith.constant 0 : index
    tpu.barrier barrier_id(%barrier3A)
    "tpu.region"() ({
      %run_scoped3A = tpu.sem_alloc : memref<!tpu.dma_semaphore, #tpu.memory_space<semaphore_mem>>
      %dma_start3A = arith.constant 0 : i32
      %dma_start3A_33 = arith.constant 0 : i32
      %dma_start3A_34 = tpu.memref_slice %arg3[%arg0, %arg1, %dma_start3A, %dma_start3A_33] : memref<2x16x250x80xi32, #tpu.memory_space<hbm>> -> memref<1x1x250x80xi32, #tpu.memory_space<hbm>>
      %dma_start3A_35 = tpu.memref_squeeze %dma_start3A_34 : memref<1x1x250x80xi32, #tpu.memory_space<hbm>> -> memref<250x80xi32, #tpu.memory_space<hbm>>
      %dma_start3A_36 = arith.constant 0 : i32
      %dma_start3A_37 = arith.constant 0 : i32
      %dma_start3A_38 = tpu.memref_slice %arg3[%arg0, %arg1, %dma_start3A_36, %dma_start3A_37] : memref<2x16x250x80xi32, #tpu.memory_space<hbm>> -> memref<1x1x250x80xi32, #tpu.memory_space<hbm>>
      %dma_start3A_39 = tpu.memref_squeeze %dma_start3A_38 : memref<1x1x250x80xi32, #tpu.memory_space<hbm>> -> memref<250x80xi32, #tpu.memory_space<hbm>>
      tpu.enqueue_dma source(%dma_start3A_39 : memref<250x80xi32, #tpu.memory_space<hbm>>) target(%arg6 : memref<250x80xi32, #tpu.memory_space<vmem>>) target_semaphore(%run_scoped3A : memref<!tpu.dma_semaphore, #tpu.memory_space<semaphore_mem>>)
      %dma_wait3A = arith.constant 0 : i32
      %dma_wait3A_40 = arith.constant 0 : i32
      %dma_wait3A_41 = tpu.memref_slice %arg3[%arg0, %arg1, %dma_wait3A, %dma_wait3A_40] : memref<2x16x250x80xi32, #tpu.memory_space<hbm>> -> memref<1x1x250x80xi32, #tpu.memory_space<hbm>>
      %dma_wait3A_42 = tpu.memref_squeeze %dma_wait3A_41 : memref<1x1x250x80xi32, #tpu.memory_space<hbm>> -> memref<250x80xi32, #tpu.memory_space<hbm>>
      %dma_wait3A_43 = arith.constant 0 : i32
      %dma_wait3A_44 = arith.constant 0 : i32
      %dma_wait3A_45 = tpu.memref_slice %arg3[%arg0, %arg1, %dma_wait3A_43, %dma_wait3A_44] : memref<2x16x250x80xi32, #tpu.memory_space<hbm>> -> memref<1x1x250x80xi32, #tpu.memory_space<hbm>>
      %dma_wait3A_46 = tpu.memref_squeeze %dma_wait3A_45 : memref<1x1x250x80xi32, #tpu.memory_space<hbm>> -> memref<250x80xi32, #tpu.memory_space<hbm>>
      tpu.wait_dma2 semaphore(%run_scoped3A : memref<!tpu.dma_semaphore, #tpu.memory_space<semaphore_mem>>) src(%dma_wait3A_46 : memref<250x80xi32, #tpu.memory_space<hbm>>) dst(%arg6 : memref<250x80xi32, #tpu.memory_space<vmem>>)
      tpu.yield
    }) : () -> ()
    "tpu.region"() ({
      %run_scoped3A = tpu.sem_alloc : memref<!tpu.dma_semaphore, #tpu.memory_space<semaphore_mem>>
      %dma_start3A = arith.constant 0 : i32
      %dma_start3A_33 = arith.constant 0 : i32
      %dma_start3A_34 = tpu.memref_slice %arg4[%arg1, %dma_start3A, %dma_start3A_33] : memref<16x250x80xi32, #tpu.memory_space<hbm>> -> memref<1x250x80xi32, #tpu.memory_space<hbm>>
      %dma_start3A_35 = tpu.memref_squeeze %dma_start3A_34 : memref<1x250x80xi32, #tpu.memory_space<hbm>> -> memref<250x80xi32, #tpu.memory_space<hbm>>
      %dma_start3A_36 = arith.constant 0 : i32
      %dma_start3A_37 = arith.constant 0 : i32
      %dma_start3A_38 = tpu.memref_slice %arg4[%arg1, %dma_start3A_36, %dma_start3A_37] : memref<16x250x80xi32, #tpu.memory_space<hbm>> -> memref<1x250x80xi32, #tpu.memory_space<hbm>>
      %dma_start3A_39 = tpu.memref_squeeze %dma_start3A_38 : memref<1x250x80xi32, #tpu.memory_space<hbm>> -> memref<250x80xi32, #tpu.memory_space<hbm>>
      tpu.enqueue_dma source(%dma_start3A_39 : memref<250x80xi32, #tpu.memory_space<hbm>>) target(%arg7 : memref<250x80xi32, #tpu.memory_space<vmem>>) target_semaphore(%run_scoped3A : memref<!tpu.dma_semaphore, #tpu.memory_space<semaphore_mem>>)
      %dma_wait3A = arith.constant 0 : i32
      %dma_wait3A_40 = arith.constant 0 : i32
      %dma_wait3A_41 = tpu.memref_slice %arg4[%arg1, %dma_wait3A, %dma_wait3A_40] : memref<16x250x80xi32, #tpu.memory_space<hbm>> -> memref<1x250x80xi32, #tpu.memory_space<hbm>>
      %dma_wait3A_42 = tpu.memref_squeeze %dma_wait3A_41 : memref<1x250x80xi32, #tpu.memory_space<hbm>> -> memref<250x80xi32, #tpu.memory_space<hbm>>
      %dma_wait3A_43 = arith.constant 0 : i32
      %dma_wait3A_44 = arith.constant 0 : i32
      %dma_wait3A_45 = tpu.memref_slice %arg4[%arg1, %dma_wait3A_43, %dma_wait3A_44] : memref<16x250x80xi32, #tpu.memory_space<hbm>> -> memref<1x250x80xi32, #tpu.memory_space<hbm>>
      %dma_wait3A_46 = tpu.memref_squeeze %dma_wait3A_45 : memref<1x250x80xi32, #tpu.memory_space<hbm>> -> memref<250x80xi32, #tpu.memory_space<hbm>>
      tpu.wait_dma2 semaphore(%run_scoped3A : memref<!tpu.dma_semaphore, #tpu.memory_space<semaphore_mem>>) src(%dma_wait3A_46 : memref<250x80xi32, #tpu.memory_space<hbm>>) dst(%arg7 : memref<250x80xi32, #tpu.memory_space<vmem>>)
      tpu.yield
    }) : () -> ()
    %scan3A_24 = arith.constant 0 : i32
    %scan3A_25 = arith.constant 0 : i32
    %scan3A_26 = arith.constant 125 : i32
    %scan3A_27 = arith.addi %scan3A_25, %scan3A_26 : i32
    %scan3A_28 = arith.constant 1 : i32
    scf.for %scan3A_33 = %scan3A_25 to %scan3A_27 step %scan3A_28  : i32 {
      %mul3A_34 = arith.constant 2 : i32
      %mul3A_35 = arith.muli %scan3A_33, %mul3A_34 : i32
      %dma_start3A = arith.constant 0 : i32
      %dma_start3A_36 = tpu.memref_slice %arg6[%mul3A_35, %dma_start3A] : memref<250x80xi32, #tpu.memory_space<vmem>> -> memref<1x80xi32, #tpu.memory_space<vmem>>
      %dma_start3A_37 = tpu.memref_squeeze %dma_start3A_36 : memref<1x80xi32, #tpu.memory_space<vmem>> -> memref<80xi32, #tpu.memory_space<vmem>>
      %dma_start3A_38 = arith.constant 0 : i32
      %dma_start3A_39 = arith.constant 0 : i32
      %dma_start3A_40 = tpu.memref_slice %arg2[%dma_start3A_38, %dma_start3A_39] : memref<20000x64xf32, #tpu.memory_space<hbm>> -> memref<20000x64xf32, #tpu.memory_space<hbm>>
      tpu.enqueue_indirect_dma source(%dma_start3A_40 : memref<20000x64xf32, #tpu.memory_space<hbm>>) target(%arg8 : memref<80x64xf32, #tpu.memory_space<vmem>>) offsets(%dma_start3A_37 : memref<80xi32, #tpu.memory_space<vmem>>) semaphore(%arg12 : memref<!tpu.dma_semaphore, #tpu.memory_space<semaphore_mem>>)
      %add3A_41 = arith.constant 1 : i32
      %add3A_42 = arith.addi %mul3A_35, %add3A_41 : i32
      %dma_start3A_43 = arith.constant 0 : i32
      %dma_start3A_44 = tpu.memref_slice %arg6[%add3A_42, %dma_start3A_43] : memref<250x80xi32, #tpu.memory_space<vmem>> -> memref<1x80xi32, #tpu.memory_space<vmem>>
      %dma_start3A_45 = tpu.memref_squeeze %dma_start3A_44 : memref<1x80xi32, #tpu.memory_space<vmem>> -> memref<80xi32, #tpu.memory_space<vmem>>
      %dma_start3A_46 = arith.constant 0 : i32
      %dma_start3A_47 = arith.constant 0 : i32
      %dma_start3A_48 = tpu.memref_slice %arg2[%dma_start3A_46, %dma_start3A_47] : memref<20000x64xf32, #tpu.memory_space<hbm>> -> memref<20000x64xf32, #tpu.memory_space<hbm>>
      tpu.enqueue_indirect_dma source(%dma_start3A_48 : memref<20000x64xf32, #tpu.memory_space<hbm>>) target(%arg9 : memref<80x64xf32, #tpu.memory_space<vmem>>) offsets(%dma_start3A_45 : memref<80xi32, #tpu.memory_space<vmem>>) semaphore(%arg13 : memref<!tpu.dma_semaphore, #tpu.memory_space<semaphore_mem>>)
      %dma_wait3A = arith.constant 0 : i32
      %dma_wait3A_49 = tpu.memref_slice %arg6[%mul3A_35, %dma_wait3A] : memref<250x80xi32, #tpu.memory_space<vmem>> -> memref<1x80xi32, #tpu.memory_space<vmem>>
      %dma_wait3A_50 = tpu.memref_squeeze %dma_wait3A_49 : memref<1x80xi32, #tpu.memory_space<vmem>> -> memref<80xi32, #tpu.memory_space<vmem>>
      %dma_wait3A_51 = arith.constant 0 : i32
      %dma_wait3A_52 = arith.constant 0 : i32
      %dma_wait3A_53 = tpu.memref_slice %arg2[%dma_wait3A_51, %dma_wait3A_52] : memref<20000x64xf32, #tpu.memory_space<hbm>> -> memref<20000x64xf32, #tpu.memory_space<hbm>>
      tpu.wait_indirect_dma semaphore(%arg12 : memref<!tpu.dma_semaphore, #tpu.memory_space<semaphore_mem>>) src(%dma_wait3A_53 : memref<20000x64xf32, #tpu.memory_space<hbm>>) dst(%arg8 : memref<80x64xf32, #tpu.memory_space<vmem>>)
      "tpu.region"() ({
        %run_scoped3A = tpu.sem_alloc : memref<!tpu.dma_semaphore, #tpu.memory_space<semaphore_mem>>
        %dma_start3A_62 = arith.constant 0 : i32
        %dma_start3A_63 = tpu.memref_slice %arg7[%mul3A_35, %dma_start3A_62] : memref<250x80xi32, #tpu.memory_space<vmem>> -> memref<1x80xi32, #tpu.memory_space<vmem>>
        %dma_start3A_64 = tpu.memref_squeeze %dma_start3A_63 : memref<1x80xi32, #tpu.memory_space<vmem>> -> memref<80xi32, #tpu.memory_space<vmem>>
        %dma_start3A_65 = arith.constant 0 : i32
        %dma_start3A_66 = arith.constant 0 : i32
        %dma_start3A_67 = tpu.memref_slice %arg11[%dma_start3A_65, %dma_start3A_66] : memref<10000x64xf32, #tpu.memory_space<vmem_shared>> -> memref<10000x64xf32, #tpu.memory_space<vmem_shared>>
        tpu.enqueue_indirect_dma source(%arg8 : memref<80x64xf32, #tpu.memory_space<vmem>>) target(%dma_start3A_67 : memref<10000x64xf32, #tpu.memory_space<vmem_shared>>) offsets(%dma_start3A_64 : memref<80xi32, #tpu.memory_space<vmem>>) semaphore(%run_scoped3A : memref<!tpu.dma_semaphore, #tpu.memory_space<semaphore_mem>>) {add = true}
        %dma_wait3A_68 = arith.constant 0 : i32
        %dma_wait3A_69 = tpu.memref_slice %arg7[%mul3A_35, %dma_wait3A_68] : memref<250x80xi32, #tpu.memory_space<vmem>> -> memref<1x80xi32, #tpu.memory_space<vmem>>
        %dma_wait3A_70 = tpu.memref_squeeze %dma_wait3A_69 : memref<1x80xi32, #tpu.memory_space<vmem>> -> memref<80xi32, #tpu.memory_space<vmem>>
        %dma_wait3A_71 = arith.constant 0 : i32
        %dma_wait3A_72 = arith.constant 0 : i32
        %dma_wait3A_73 = tpu.memref_slice %arg11[%dma_wait3A_71, %dma_wait3A_72] : memref<10000x64xf32, #tpu.memory_space<vmem_shared>> -> memref<10000x64xf32, #tpu.memory_space<vmem_shared>>
        tpu.wait_indirect_dma semaphore(%run_scoped3A : memref<!tpu.dma_semaphore, #tpu.memory_space<semaphore_mem>>) src(%arg8 : memref<80x64xf32, #tpu.memory_space<vmem>>) dst(%dma_wait3A_73 : memref<10000x64xf32, #tpu.memory_space<vmem_shared>>)
        tpu.yield
      }) : () -> ()
      %dma_wait3A_54 = arith.constant 0 : i32
      %dma_wait3A_55 = tpu.memref_slice %arg6[%add3A_42, %dma_wait3A_54] : memref<250x80xi32, #tpu.memory_space<vmem>> -> memref<1x80xi32, #tpu.memory_space<vmem>>
      %dma_wait3A_56 = tpu.memref_squeeze %dma_wait3A_55 : memref<1x80xi32, #tpu.memory_space<vmem>> -> memref<80xi32, #tpu.memory_space<vmem>>
      %dma_wait3A_57 = arith.constant 0 : i32
      %dma_wait3A_58 = arith.constant 0 : i32
      %dma_wait3A_59 = tpu.memref_slice %arg2[%dma_wait3A_57, %dma_wait3A_58] : memref<20000x64xf32, #tpu.memory_space<hbm>> -> memref<20000x64xf32, #tpu.memory_space<hbm>>
      tpu.wait_indirect_dma semaphore(%arg13 : memref<!tpu.dma_semaphore, #tpu.memory_space<semaphore_mem>>) src(%dma_wait3A_59 : memref<20000x64xf32, #tpu.memory_space<hbm>>) dst(%arg9 : memref<80x64xf32, #tpu.memory_space<vmem>>)
      %add3A_60 = arith.constant 1 : i32
      %add3A_61 = arith.addi %mul3A_35, %add3A_60 : i32
      "tpu.region"() ({
        %run_scoped3A = tpu.sem_alloc : memref<!tpu.dma_semaphore, #tpu.memory_space<semaphore_mem>>
        %dma_start3A_62 = arith.constant 0 : i32
        %dma_start3A_63 = tpu.memref_slice %arg7[%add3A_61, %dma_start3A_62] : memref<250x80xi32, #tpu.memory_space<vmem>> -> memref<1x80xi32, #tpu.memory_space<vmem>>
        %dma_start3A_64 = tpu.memref_squeeze %dma_start3A_63 : memref<1x80xi32, #tpu.memory_space<vmem>> -> memref<80xi32, #tpu.memory_space<vmem>>
        %dma_start3A_65 = arith.constant 0 : i32
        %dma_start3A_66 = arith.constant 0 : i32
        %dma_start3A_67 = tpu.memref_slice %arg11[%dma_start3A_65, %dma_start3A_66] : memref<10000x64xf32, #tpu.memory_space<vmem_shared>> -> memref<10000x64xf32, #tpu.memory_space<vmem_shared>>
        tpu.enqueue_indirect_dma source(%arg9 : memref<80x64xf32, #tpu.memory_space<vmem>>) target(%dma_start3A_67 : memref<10000x64xf32, #tpu.memory_space<vmem_shared>>) offsets(%dma_start3A_64 : memref<80xi32, #tpu.memory_space<vmem>>) semaphore(%run_scoped3A : memref<!tpu.dma_semaphore, #tpu.memory_space<semaphore_mem>>) {add = true}
        %dma_wait3A_68 = arith.constant 0 : i32
        %dma_wait3A_69 = tpu.memref_slice %arg7[%add3A_61, %dma_wait3A_68] : memref<250x80xi32, #tpu.memory_space<vmem>> -> memref<1x80xi32, #tpu.memory_space<vmem>>
        %dma_wait3A_70 = tpu.memref_squeeze %dma_wait3A_69 : memref<1x80xi32, #tpu.memory_space<vmem>> -> memref<80xi32, #tpu.memory_space<vmem>>
        %dma_wait3A_71 = arith.constant 0 : i32
        %dma_wait3A_72 = arith.constant 0 : i32
        %dma_wait3A_73 = tpu.memref_slice %arg11[%dma_wait3A_71, %dma_wait3A_72] : memref<10000x64xf32, #tpu.memory_space<vmem_shared>> -> memref<10000x64xf32, #tpu.memory_space<vmem_shared>>
        tpu.wait_indirect_dma semaphore(%run_scoped3A : memref<!tpu.dma_semaphore, #tpu.memory_space<semaphore_mem>>) src(%arg9 : memref<80x64xf32, #tpu.memory_space<vmem>>) dst(%dma_wait3A_73 : memref<10000x64xf32, #tpu.memory_space<vmem_shared>>)
        tpu.yield
      }) : () -> ()
    }
    %scan3A_29 = arith.constant 125 : i32
    %barrier3A_30 = arith.constant 0 : index
    tpu.barrier barrier_id(%barrier3A_30)
    %mul3A_31 = arith.constant 625 : i32
    %mul3A_32 = arith.muli %arg1, %mul3A_31 : i32
    "tpu.region"() ({
      %run_scoped3A = tpu.sem_alloc : memref<!tpu.dma_semaphore, #tpu.memory_space<semaphore_mem>>
      %dma_start3A = arith.constant 0 : i32
      %dma_start3A_33 = arith.constant 0 : i32
      %dma_start3A_34 = tpu.memref_slice %arg5[%arg0, %arg1, %dma_start3A, %dma_start3A_33] : memref<2x16x625x64xf32, #tpu.memory_space<hbm>> -> memref<1x1x625x64xf32, #tpu.memory_space<hbm>>
      %dma_start3A_35 = tpu.memref_squeeze %dma_start3A_34 : memref<1x1x625x64xf32, #tpu.memory_space<hbm>> -> memref<625x64xf32, #tpu.memory_space<hbm>>
      %dma_start3A_36 = arith.constant 0 : i32
      %dma_start3A_37 = tpu.memref_slice %arg11[%mul3A_32, %dma_start3A_36] : memref<10000x64xf32, #tpu.memory_space<vmem_shared>> -> memref<625x64xf32, #tpu.memory_space<vmem_shared>>
      tpu.enqueue_dma source(%dma_start3A_37 : memref<625x64xf32, #tpu.memory_space<vmem_shared>>) target(%dma_start3A_35 : memref<625x64xf32, #tpu.memory_space<hbm>>) target_semaphore(%run_scoped3A : memref<!tpu.dma_semaphore, #tpu.memory_space<semaphore_mem>>)
      %dma_wait3A = arith.constant 0 : i32
      %dma_wait3A_38 = arith.constant 0 : i32
      %dma_wait3A_39 = tpu.memref_slice %arg5[%arg0, %arg1, %dma_wait3A, %dma_wait3A_38] : memref<2x16x625x64xf32, #tpu.memory_space<hbm>> -> memref<1x1x625x64xf32, #tpu.memory_space<hbm>>
      %dma_wait3A_40 = tpu.memref_squeeze %dma_wait3A_39 : memref<1x1x625x64xf32, #tpu.memory_space<hbm>> -> memref<625x64xf32, #tpu.memory_space<hbm>>
      %dma_wait3A_41 = arith.constant 0 : i32
      %dma_wait3A_42 = tpu.memref_slice %arg11[%mul3A_32, %dma_wait3A_41] : memref<10000x64xf32, #tpu.memory_space<vmem_shared>> -> memref<625x64xf32, #tpu.memory_space<vmem_shared>>
      tpu.wait_dma2 semaphore(%run_scoped3A : memref<!tpu.dma_semaphore, #tpu.memory_space<semaphore_mem>>) src(%dma_wait3A_42 : memref<625x64xf32, #tpu.memory_space<vmem_shared>>) dst(%dma_wait3A_40 : memref<625x64xf32, #tpu.memory_space<hbm>>)
      tpu.yield
    }) : () -> ()
    return
  }
}

#map = affine_map<(d0, d1) -> (0, 0)>
#map1 = affine_map<(d0, d1) -> (0, 0, 0, 0)>
#map2 = affine_map<(d0, d1) -> (0, 0, 0)>
module attributes {stable_mosaic.version = 14 : i64} {
  func.func @_scatter_body(%arg0: i32, %arg1: i32, %arg2: memref<20000x64xf32, #tpu.memory_space<hbm>>, %arg3: memref<2x16x250x80xi32, #tpu.memory_space<hbm>>, %arg4: memref<16x250x80xi32, #tpu.memory_space<hbm>>, %arg5: memref<2x16x625x64xf32, #tpu.memory_space<hbm>>, %arg6: memref<250x80xi32, #tpu.memory_space<vmem>>, %arg7: memref<250x80xi32, #tpu.memory_space<vmem>>, %arg8: memref<80x64xf32, #tpu.memory_space<vmem>>, %arg9: memref<80x64xf32, #tpu.memory_space<vmem>>, %arg10: memref<125x64xf32, #tpu.memory_space<vmem>>, %arg11: memref<10000x64xf32, #tpu.memory_space<vmem_shared>>, %arg12: memref<!tpu.dma_semaphore, #tpu.memory_space<semaphore_mem>>, %arg13: memref<!tpu.dma_semaphore, #tpu.memory_space<semaphore_mem>>) attributes {dimension_semantics = [#tpu.dimension_semantics<core_parallel>, #tpu.dimension_semantics<subcore_parallel>], iteration_bounds = array<i64: 2, 16>, scalar_prefetch = 0 : i64, scratch_operands = 8 : i64, tpu.core_type = #tpu.core_type<sc_vector_subcore>, window_params = [{transform_indices = #map}, {transform_indices = #map1}, {transform_indices = #map2}, {transform_indices = #map1}]} {
    %broadcast_in_dim3A = arith.constant 0.000000e+00 : f32
    %broadcast_in_dim3A_0 = vector.broadcast %broadcast_in_dim3A : f32 to vector<16xf32>
    %scan3A = arith.constant 0 : i32
    %scan3A_1 = arith.constant 0 : i32
    %scan3A_2 = arith.constant 125 : i32
    %scan3A_3 = arith.addi %scan3A_1, %scan3A_2 : i32
    %scan3A_4 = arith.constant 1 : i32
    scf.for %scan3A_33 = %scan3A_1 to %scan3A_3 step %scan3A_4  : i32 {
      %swap3A = arith.index_cast %scan3A_33 : i32 to index
      %swap3A_34 = arith.constant 0 : index
      %swap3A_35 = tpu.vector_load %arg10[%swap3A, %swap3A_34] {strides = array<i32>} : memref<125x64xf32, #tpu.memory_space<vmem>>, vector<1x16xf32>,
      %swap3A_36 = vector.shape_cast %swap3A_35 : vector<1x16xf32> to vector<16xf32>
      %swap3A_37 = vector.shape_cast %broadcast_in_dim3A_0 : vector<16xf32> to vector<1x16xf32>
      tpu.vector_store %arg10[%swap3A, %swap3A_34], %swap3A_37 {strides = array<i32>} : memref<125x64xf32, #tpu.memory_space<vmem>>, vector<1x16xf32>,
      %swap3A_38 = arith.index_cast %scan3A_33 : i32 to index
      %swap3A_39 = arith.constant 16 : index
      %swap3A_40 = tpu.vector_load %arg10[%swap3A_38, %swap3A_39] {strides = array<i32>} : memref<125x64xf32, #tpu.memory_space<vmem>>, vector<1x16xf32>,
      %swap3A_41 = vector.shape_cast %swap3A_40 : vector<1x16xf32> to vector<16xf32>
      %swap3A_42 = vector.shape_cast %broadcast_in_dim3A_0 : vector<16xf32> to vector<1x16xf32>
      tpu.vector_store %arg10[%swap3A_38, %swap3A_39], %swap3A_42 {strides = array<i32>} : memref<125x64xf32, #tpu.memory_space<vmem>>, vector<1x16xf32>,
      %swap3A_43 = arith.index_cast %scan3A_33 : i32 to index
      %swap3A_44 = arith.constant 32 : index
      %swap3A_45 = tpu.vector_load %arg10[%swap3A_43, %swap3A_44] {strides = array<i32>} : memref<125x64xf32, #tpu.memory_space<vmem>>, vector<1x16xf32>,
      %swap3A_46 = vector.shape_cast %swap3A_45 : vector<1x16xf32> to vector<16xf32>
      %swap3A_47 = vector.shape_cast %broadcast_in_dim3A_0 : vector<16xf32> to vector<1x16xf32>
      tpu.vector_store %arg10[%swap3A_43, %swap3A_44], %swap3A_47 {strides = array<i32>} : memref<125x64xf32, #tpu.memory_space<vmem>>, vector<1x16xf32>,
      %swap3A_48 = arith.index_cast %scan3A_33 : i32 to index
      %swap3A_49 = arith.constant 48 : index
      %swap3A_50 = tpu.vector_load %arg10[%swap3A_48, %swap3A_49] {strides = array<i32>} : memref<125x64xf32, #tpu.memory_space<vmem>>, vector<1x16xf32>,
      %swap3A_51 = vector.shape_cast %swap3A_50 : vector<1x16xf32> to vector<16xf32>
      %swap3A_52 = vector.shape_cast %broadcast_in_dim3A_0 : vector<16xf32> to vector<1x16xf32>
      tpu.vector_store %arg10[%swap3A_48, %swap3A_49], %swap3A_52 {strides = array<i32>} : memref<125x64xf32, #tpu.memory_space<vmem>>, vector<1x16xf32>,
    }
    %scan3A_5 = arith.constant 125 : i32
    %mul3A = arith.constant 625 : i32
    %mul3A_6 = arith.muli %arg1, %mul3A : i32
    %add3A = arith.constant 0 : i32
    %add3A_7 = arith.addi %mul3A_6, %add3A : i32
    "tpu.region"() ({
      %run_scoped3A = tpu.sem_alloc : memref<!tpu.dma_semaphore, #tpu.memory_space<semaphore_mem>>
      %dma_start3A = arith.constant 0 : i32
      %dma_start3A_33 = tpu.memref_slice %arg11[%add3A_7, %dma_start3A] : memref<10000x64xf32, #tpu.memory_space<vmem_shared>> -> memref<125x64xf32, #tpu.memory_space<vmem_shared>>
      %dma_start3A_34 = arith.constant 0 : i32
      %dma_start3A_35 = tpu.memref_slice %arg11[%add3A_7, %dma_start3A_34] : memref<10000x64xf32, #tpu.memory_space<vmem_shared>> -> memref<125x64xf32, #tpu.memory_space<vmem_shared>>
      tpu.enqueue_dma source(%arg10 : memref<125x64xf32, #tpu.memory_space<vmem>>) target(%dma_start3A_35 : memref<125x64xf32, #tpu.memory_space<vmem_shared>>) target_semaphore(%run_scoped3A : memref<!tpu.dma_semaphore, #tpu.memory_space<semaphore_mem>>)
      %dma_wait3A = arith.constant 0 : i32
      %dma_wait3A_36 = tpu.memref_slice %arg11[%add3A_7, %dma_wait3A] : memref<10000x64xf32, #tpu.memory_space<vmem_shared>> -> memref<125x64xf32, #tpu.memory_space<vmem_shared>>
      %dma_wait3A_37 = arith.constant 0 : i32
      %dma_wait3A_38 = tpu.memref_slice %arg11[%add3A_7, %dma_wait3A_37] : memref<10000x64xf32, #tpu.memory_space<vmem_shared>> -> memref<125x64xf32, #tpu.memory_space<vmem_shared>>
      tpu.wait_dma2 semaphore(%run_scoped3A : memref<!tpu.dma_semaphore, #tpu.memory_space<semaphore_mem>>) src(%arg10 : memref<125x64xf32, #tpu.memory_space<vmem>>) dst(%dma_wait3A_38 : memref<125x64xf32, #tpu.memory_space<vmem_shared>>)
      tpu.yield
    }) : () -> ()
    %mul3A_8 = arith.constant 625 : i32
    %mul3A_9 = arith.muli %arg1, %mul3A_8 : i32
    %add3A_10 = arith.constant 125 : i32
    %add3A_11 = arith.addi %mul3A_9, %add3A_10 : i32
    "tpu.region"() ({
      %run_scoped3A = tpu.sem_alloc : memref<!tpu.dma_semaphore, #tpu.memory_space<semaphore_mem>>
      %dma_start3A = arith.constant 0 : i32
      %dma_start3A_33 = tpu.memref_slice %arg11[%add3A_11, %dma_start3A] : memref<10000x64xf32, #tpu.memory_space<vmem_shared>> -> memref<125x64xf32, #tpu.memory_space<vmem_shared>>
      %dma_start3A_34 = arith.constant 0 : i32
      %dma_start3A_35 = tpu.memref_slice %arg11[%add3A_11, %dma_start3A_34] : memref<10000x64xf32, #tpu.memory_space<vmem_shared>> -> memref<125x64xf32, #tpu.memory_space<vmem_shared>>
      tpu.enqueue_dma source(%arg10 : memref<125x64xf32, #tpu.memory_space<vmem>>) target(%dma_start3A_35 : memref<125x64xf32, #tpu.memory_space<vmem_shared>>) target_semaphore(%run_scoped3A : memref<!tpu.dma_semaphore, #tpu.memory_space<semaphore_mem>>)
      %dma_wait3A = arith.constant 0 : i32
      %dma_wait3A_36 = tpu.memref_slice %arg11[%add3A_11, %dma_wait3A] : memref<10000x64xf32, #tpu.memory_space<vmem_shared>> -> memref<125x64xf32, #tpu.memory_space<vmem_shared>>
      %dma_wait3A_37 = arith.constant 0 : i32
      %dma_wait3A_38 = tpu.memref_slice %arg11[%add3A_11, %dma_wait3A_37] : memref<10000x64xf32, #tpu.memory_space<vmem_shared>> -> memref<125x64xf32, #tpu.memory_space<vmem_shared>>
      tpu.wait_dma2 semaphore(%run_scoped3A : memref<!tpu.dma_semaphore, #tpu.memory_space<semaphore_mem>>) src(%arg10 : memref<125x64xf32, #tpu.memory_space<vmem>>) dst(%dma_wait3A_38 : memref<125x64xf32, #tpu.memory_space<vmem_shared>>)
      tpu.yield
    }) : () -> ()
    %mul3A_12 = arith.constant 625 : i32
    %mul3A_13 = arith.muli %arg1, %mul3A_12 : i32
    %add3A_14 = arith.constant 250 : i32
    %add3A_15 = arith.addi %mul3A_13, %add3A_14 : i32
    "tpu.region"() ({
      %run_scoped3A = tpu.sem_alloc : memref<!tpu.dma_semaphore, #tpu.memory_space<semaphore_mem>>
      %dma_start3A = arith.constant 0 : i32
      %dma_start3A_33 = tpu.memref_slice %arg11[%add3A_15, %dma_start3A] : memref<10000x64xf32, #tpu.memory_space<vmem_shared>> -> memref<125x64xf32, #tpu.memory_space<vmem_shared>>
      %dma_start3A_34 = arith.constant 0 : i32
      %dma_start3A_35 = tpu.memref_slice %arg11[%add3A_15, %dma_start3A_34] : memref<10000x64xf32, #tpu.memory_space<vmem_shared>> -> memref<125x64xf32, #tpu.memory_space<vmem_shared>>
      tpu.enqueue_dma source(%arg10 : memref<125x64xf32, #tpu.memory_space<vmem>>) target(%dma_start3A_35 : memref<125x64xf32, #tpu.memory_space<vmem_shared>>) target_semaphore(%run_scoped3A : memref<!tpu.dma_semaphore, #tpu.memory_space<semaphore_mem>>)
      %dma_wait3A = arith.constant 0 : i32
      %dma_wait3A_36 = tpu.memref_slice %arg11[%add3A_15, %dma_wait3A] : memref<10000x64xf32, #tpu.memory_space<vmem_shared>> -> memref<125x64xf32, #tpu.memory_space<vmem_shared>>
      %dma_wait3A_37 = arith.constant 0 : i32
      %dma_wait3A_38 = tpu.memref_slice %arg11[%add3A_15, %dma_wait3A_37] : memref<10000x64xf32, #tpu.memory_space<vmem_shared>> -> memref<125x64xf32, #tpu.memory_space<vmem_shared>>
      tpu.wait_dma2 semaphore(%run_scoped3A : memref<!tpu.dma_semaphore, #tpu.memory_space<semaphore_mem>>) src(%arg10 : memref<125x64xf32, #tpu.memory_space<vmem>>) dst(%dma_wait3A_38 : memref<125x64xf32, #tpu.memory_space<vmem_shared>>)
      tpu.yield
    }) : () -> ()
    %mul3A_16 = arith.constant 625 : i32
    %mul3A_17 = arith.muli %arg1, %mul3A_16 : i32
    %add3A_18 = arith.constant 375 : i32
    %add3A_19 = arith.addi %mul3A_17, %add3A_18 : i32
    "tpu.region"() ({
      %run_scoped3A = tpu.sem_alloc : memref<!tpu.dma_semaphore, #tpu.memory_space<semaphore_mem>>
      %dma_start3A = arith.constant 0 : i32
      %dma_start3A_33 = tpu.memref_slice %arg11[%add3A_19, %dma_start3A] : memref<10000x64xf32, #tpu.memory_space<vmem_shared>> -> memref<125x64xf32, #tpu.memory_space<vmem_shared>>
      %dma_start3A_34 = arith.constant 0 : i32
      %dma_start3A_35 = tpu.memref_slice %arg11[%add3A_19, %dma_start3A_34] : memref<10000x64xf32, #tpu.memory_space<vmem_shared>> -> memref<125x64xf32, #tpu.memory_space<vmem_shared>>
      tpu.enqueue_dma source(%arg10 : memref<125x64xf32, #tpu.memory_space<vmem>>) target(%dma_start3A_35 : memref<125x64xf32, #tpu.memory_space<vmem_shared>>) target_semaphore(%run_scoped3A : memref<!tpu.dma_semaphore, #tpu.memory_space<semaphore_mem>>)
      %dma_wait3A = arith.constant 0 : i32
      %dma_wait3A_36 = tpu.memref_slice %arg11[%add3A_19, %dma_wait3A] : memref<10000x64xf32, #tpu.memory_space<vmem_shared>> -> memref<125x64xf32, #tpu.memory_space<vmem_shared>>
      %dma_wait3A_37 = arith.constant 0 : i32
      %dma_wait3A_38 = tpu.memref_slice %arg11[%add3A_19, %dma_wait3A_37] : memref<10000x64xf32, #tpu.memory_space<vmem_shared>> -> memref<125x64xf32, #tpu.memory_space<vmem_shared>>
      tpu.wait_dma2 semaphore(%run_scoped3A : memref<!tpu.dma_semaphore, #tpu.memory_space<semaphore_mem>>) src(%arg10 : memref<125x64xf32, #tpu.memory_space<vmem>>) dst(%dma_wait3A_38 : memref<125x64xf32, #tpu.memory_space<vmem_shared>>)
      tpu.yield
    }) : () -> ()
    %mul3A_20 = arith.constant 625 : i32
    %mul3A_21 = arith.muli %arg1, %mul3A_20 : i32
    %add3A_22 = arith.constant 500 : i32
    %add3A_23 = arith.addi %mul3A_21, %add3A_22 : i32
    "tpu.region"() ({
      %run_scoped3A = tpu.sem_alloc : memref<!tpu.dma_semaphore, #tpu.memory_space<semaphore_mem>>
      %dma_start3A = arith.constant 0 : i32
      %dma_start3A_33 = tpu.memref_slice %arg11[%add3A_23, %dma_start3A] : memref<10000x64xf32, #tpu.memory_space<vmem_shared>> -> memref<125x64xf32, #tpu.memory_space<vmem_shared>>
      %dma_start3A_34 = arith.constant 0 : i32
      %dma_start3A_35 = tpu.memref_slice %arg11[%add3A_23, %dma_start3A_34] : memref<10000x64xf32, #tpu.memory_space<vmem_shared>> -> memref<125x64xf32, #tpu.memory_space<vmem_shared>>
      tpu.enqueue_dma source(%arg10 : memref<125x64xf32, #tpu.memory_space<vmem>>) target(%dma_start3A_35 : memref<125x64xf32, #tpu.memory_space<vmem_shared>>) target_semaphore(%run_scoped3A : memref<!tpu.dma_semaphore, #tpu.memory_space<semaphore_mem>>)
      %dma_wait3A = arith.constant 0 : i32
      %dma_wait3A_36 = tpu.memref_slice %arg11[%add3A_23, %dma_wait3A] : memref<10000x64xf32, #tpu.memory_space<vmem_shared>> -> memref<125x64xf32, #tpu.memory_space<vmem_shared>>
      %dma_wait3A_37 = arith.constant 0 : i32
      %dma_wait3A_38 = tpu.memref_slice %arg11[%add3A_23, %dma_wait3A_37] : memref<10000x64xf32, #tpu.memory_space<vmem_shared>> -> memref<125x64xf32, #tpu.memory_space<vmem_shared>>
      tpu.wait_dma2 semaphore(%run_scoped3A : memref<!tpu.dma_semaphore, #tpu.memory_space<semaphore_mem>>) src(%arg10 : memref<125x64xf32, #tpu.memory_space<vmem>>) dst(%dma_wait3A_38 : memref<125x64xf32, #tpu.memory_space<vmem_shared>>)
      tpu.yield
    }) : () -> ()
    %barrier3A = arith.constant 0 : index
    tpu.barrier barrier_id(%barrier3A)
    "tpu.region"() ({
      %run_scoped3A = tpu.sem_alloc : memref<!tpu.dma_semaphore, #tpu.memory_space<semaphore_mem>>
      %dma_start3A = arith.constant 0 : i32
      %dma_start3A_33 = arith.constant 0 : i32
      %dma_start3A_34 = tpu.memref_slice %arg3[%arg0, %arg1, %dma_start3A, %dma_start3A_33] : memref<2x16x250x80xi32, #tpu.memory_space<hbm>> -> memref<1x1x250x80xi32, #tpu.memory_space<hbm>>
      %dma_start3A_35 = tpu.memref_squeeze %dma_start3A_34 : memref<1x1x250x80xi32, #tpu.memory_space<hbm>> -> memref<250x80xi32, #tpu.memory_space<hbm>>
      %dma_start3A_36 = arith.constant 0 : i32
      %dma_start3A_37 = arith.constant 0 : i32
      %dma_start3A_38 = tpu.memref_slice %arg3[%arg0, %arg1, %dma_start3A_36, %dma_start3A_37] : memref<2x16x250x80xi32, #tpu.memory_space<hbm>> -> memref<1x1x250x80xi32, #tpu.memory_space<hbm>>
      %dma_start3A_39 = tpu.memref_squeeze %dma_start3A_38 : memref<1x1x250x80xi32, #tpu.memory_space<hbm>> -> memref<250x80xi32, #tpu.memory_space<hbm>>
      tpu.enqueue_dma source(%dma_start3A_39 : memref<250x80xi32, #tpu.memory_space<hbm>>) target(%arg6 : memref<250x80xi32, #tpu.memory_space<vmem>>) target_semaphore(%run_scoped3A : memref<!tpu.dma_semaphore, #tpu.memory_space<semaphore_mem>>)
      %dma_wait3A = arith.constant 0 : i32
      %dma_wait3A_40 = arith.constant 0 : i32
      %dma_wait3A_41 = tpu.memref_slice %arg3[%arg0, %arg1, %dma_wait3A, %dma_wait3A_40] : memref<2x16x250x80xi32, #tpu.memory_space<hbm>> -> memref<1x1x250x80xi32, #tpu.memory_space<hbm>>
      %dma_wait3A_42 = tpu.memref_squeeze %dma_wait3A_41 : memref<1x1x250x80xi32, #tpu.memory_space<hbm>> -> memref<250x80xi32, #tpu.memory_space<hbm>>
      %dma_wait3A_43 = arith.constant 0 : i32
      %dma_wait3A_44 = arith.constant 0 : i32
      %dma_wait3A_45 = tpu.memref_slice %arg3[%arg0, %arg1, %dma_wait3A_43, %dma_wait3A_44] : memref<2x16x250x80xi32, #tpu.memory_space<hbm>> -> memref<1x1x250x80xi32, #tpu.memory_space<hbm>>
      %dma_wait3A_46 = tpu.memref_squeeze %dma_wait3A_45 : memref<1x1x250x80xi32, #tpu.memory_space<hbm>> -> memref<250x80xi32, #tpu.memory_space<hbm>>
      tpu.wait_dma2 semaphore(%run_scoped3A : memref<!tpu.dma_semaphore, #tpu.memory_space<semaphore_mem>>) src(%dma_wait3A_46 : memref<250x80xi32, #tpu.memory_space<hbm>>) dst(%arg6 : memref<250x80xi32, #tpu.memory_space<vmem>>)
      tpu.yield
    }) : () -> ()
    "tpu.region"() ({
      %run_scoped3A = tpu.sem_alloc : memref<!tpu.dma_semaphore, #tpu.memory_space<semaphore_mem>>
      %dma_start3A = arith.constant 0 : i32
      %dma_start3A_33 = arith.constant 0 : i32
      %dma_start3A_34 = tpu.memref_slice %arg4[%arg1, %dma_start3A, %dma_start3A_33] : memref<16x250x80xi32, #tpu.memory_space<hbm>> -> memref<1x250x80xi32, #tpu.memory_space<hbm>>
      %dma_start3A_35 = tpu.memref_squeeze %dma_start3A_34 : memref<1x250x80xi32, #tpu.memory_space<hbm>> -> memref<250x80xi32, #tpu.memory_space<hbm>>
      %dma_start3A_36 = arith.constant 0 : i32
      %dma_start3A_37 = arith.constant 0 : i32
      %dma_start3A_38 = tpu.memref_slice %arg4[%arg1, %dma_start3A_36, %dma_start3A_37] : memref<16x250x80xi32, #tpu.memory_space<hbm>> -> memref<1x250x80xi32, #tpu.memory_space<hbm>>
      %dma_start3A_39 = tpu.memref_squeeze %dma_start3A_38 : memref<1x250x80xi32, #tpu.memory_space<hbm>> -> memref<250x80xi32, #tpu.memory_space<hbm>>
      tpu.enqueue_dma source(%dma_start3A_39 : memref<250x80xi32, #tpu.memory_space<hbm>>) target(%arg7 : memref<250x80xi32, #tpu.memory_space<vmem>>) target_semaphore(%run_scoped3A : memref<!tpu.dma_semaphore, #tpu.memory_space<semaphore_mem>>)
      %dma_wait3A = arith.constant 0 : i32
      %dma_wait3A_40 = arith.constant 0 : i32
      %dma_wait3A_41 = tpu.memref_slice %arg4[%arg1, %dma_wait3A, %dma_wait3A_40] : memref<16x250x80xi32, #tpu.memory_space<hbm>> -> memref<1x250x80xi32, #tpu.memory_space<hbm>>
      %dma_wait3A_42 = tpu.memref_squeeze %dma_wait3A_41 : memref<1x250x80xi32, #tpu.memory_space<hbm>> -> memref<250x80xi32, #tpu.memory_space<hbm>>
      %dma_wait3A_43 = arith.constant 0 : i32
      %dma_wait3A_44 = arith.constant 0 : i32
      %dma_wait3A_45 = tpu.memref_slice %arg4[%arg1, %dma_wait3A_43, %dma_wait3A_44] : memref<16x250x80xi32, #tpu.memory_space<hbm>> -> memref<1x250x80xi32, #tpu.memory_space<hbm>>
      %dma_wait3A_46 = tpu.memref_squeeze %dma_wait3A_45 : memref<1x250x80xi32, #tpu.memory_space<hbm>> -> memref<250x80xi32, #tpu.memory_space<hbm>>
      tpu.wait_dma2 semaphore(%run_scoped3A : memref<!tpu.dma_semaphore, #tpu.memory_space<semaphore_mem>>) src(%dma_wait3A_46 : memref<250x80xi32, #tpu.memory_space<hbm>>) dst(%arg7 : memref<250x80xi32, #tpu.memory_space<vmem>>)
      tpu.yield
    }) : () -> ()
    %scan3A_24 = arith.constant 0 : i32
    %scan3A_25 = arith.constant 0 : i32
    %scan3A_26 = arith.constant 125 : i32
    %scan3A_27 = arith.addi %scan3A_25, %scan3A_26 : i32
    %scan3A_28 = arith.constant 1 : i32
    scf.for %scan3A_33 = %scan3A_25 to %scan3A_27 step %scan3A_28  : i32 {
      %mul3A_34 = arith.constant 2 : i32
      %mul3A_35 = arith.muli %scan3A_33, %mul3A_34 : i32
      %dma_start3A = arith.constant 0 : i32
      %dma_start3A_36 = tpu.memref_slice %arg6[%mul3A_35, %dma_start3A] : memref<250x80xi32, #tpu.memory_space<vmem>> -> memref<1x80xi32, #tpu.memory_space<vmem>>
      %dma_start3A_37 = tpu.memref_squeeze %dma_start3A_36 : memref<1x80xi32, #tpu.memory_space<vmem>> -> memref<80xi32, #tpu.memory_space<vmem>>
      %dma_start3A_38 = arith.constant 0 : i32
      %dma_start3A_39 = arith.constant 0 : i32
      %dma_start3A_40 = tpu.memref_slice %arg2[%dma_start3A_38, %dma_start3A_39] : memref<20000x64xf32, #tpu.memory_space<hbm>> -> memref<20000x64xf32, #tpu.memory_space<hbm>>
      tpu.enqueue_indirect_dma source(%dma_start3A_40 : memref<20000x64xf32, #tpu.memory_space<hbm>>) target(%arg8 : memref<80x64xf32, #tpu.memory_space<vmem>>) offsets(%dma_start3A_37 : memref<80xi32, #tpu.memory_space<vmem>>) semaphore(%arg12 : memref<!tpu.dma_semaphore, #tpu.memory_space<semaphore_mem>>)
      %add3A_41 = arith.constant 1 : i32
      %add3A_42 = arith.addi %mul3A_35, %add3A_41 : i32
      %dma_start3A_43 = arith.constant 0 : i32
      %dma_start3A_44 = tpu.memref_slice %arg6[%add3A_42, %dma_start3A_43] : memref<250x80xi32, #tpu.memory_space<vmem>> -> memref<1x80xi32, #tpu.memory_space<vmem>>
      %dma_start3A_45 = tpu.memref_squeeze %dma_start3A_44 : memref<1x80xi32, #tpu.memory_space<vmem>> -> memref<80xi32, #tpu.memory_space<vmem>>
      %dma_start3A_46 = arith.constant 0 : i32
      %dma_start3A_47 = arith.constant 0 : i32
      %dma_start3A_48 = tpu.memref_slice %arg2[%dma_start3A_46, %dma_start3A_47] : memref<20000x64xf32, #tpu.memory_space<hbm>> -> memref<20000x64xf32, #tpu.memory_space<hbm>>
      tpu.enqueue_indirect_dma source(%dma_start3A_48 : memref<20000x64xf32, #tpu.memory_space<hbm>>) target(%arg9 : memref<80x64xf32, #tpu.memory_space<vmem>>) offsets(%dma_start3A_45 : memref<80xi32, #tpu.memory_space<vmem>>) semaphore(%arg13 : memref<!tpu.dma_semaphore, #tpu.memory_space<semaphore_mem>>)
      %dma_wait3A = arith.constant 0 : i32
      %dma_wait3A_49 = tpu.memref_slice %arg6[%mul3A_35, %dma_wait3A] : memref<250x80xi32, #tpu.memory_space<vmem>> -> memref<1x80xi32, #tpu.memory_space<vmem>>
      %dma_wait3A_50 = tpu.memref_squeeze %dma_wait3A_49 : memref<1x80xi32, #tpu.memory_space<vmem>> -> memref<80xi32, #tpu.memory_space<vmem>>
      %dma_wait3A_51 = arith.constant 0 : i32
      %dma_wait3A_52 = arith.constant 0 : i32
      %dma_wait3A_53 = tpu.memref_slice %arg2[%dma_wait3A_51, %dma_wait3A_52] : memref<20000x64xf32, #tpu.memory_space<hbm>> -> memref<20000x64xf32, #tpu.memory_space<hbm>>
      tpu.wait_indirect_dma semaphore(%arg12 : memref<!tpu.dma_semaphore, #tpu.memory_space<semaphore_mem>>) src(%dma_wait3A_53 : memref<20000x64xf32, #tpu.memory_space<hbm>>) dst(%arg8 : memref<80x64xf32, #tpu.memory_space<vmem>>)
      "tpu.region"() ({
        %run_scoped3A = tpu.sem_alloc : memref<!tpu.dma_semaphore, #tpu.memory_space<semaphore_mem>>
        %dma_start3A_62 = arith.constant 0 : i32
        %dma_start3A_63 = tpu.memref_slice %arg7[%mul3A_35, %dma_start3A_62] : memref<250x80xi32, #tpu.memory_space<vmem>> -> memref<1x80xi32, #tpu.memory_space<vmem>>
        %dma_start3A_64 = tpu.memref_squeeze %dma_start3A_63 : memref<1x80xi32, #tpu.memory_space<vmem>> -> memref<80xi32, #tpu.memory_space<vmem>>
        %dma_start3A_65 = arith.constant 0 : i32
        %dma_start3A_66 = arith.constant 0 : i32
        %dma_start3A_67 = tpu.memref_slice %arg11[%dma_start3A_65, %dma_start3A_66] : memref<10000x64xf32, #tpu.memory_space<vmem_shared>> -> memref<10000x64xf32, #tpu.memory_space<vmem_shared>>
        tpu.enqueue_indirect_dma source(%arg8 : memref<80x64xf32, #tpu.memory_space<vmem>>) target(%dma_start3A_67 : memref<10000x64xf32, #tpu.memory_space<vmem_shared>>) offsets(%dma_start3A_64 : memref<80xi32, #tpu.memory_space<vmem>>) semaphore(%run_scoped3A : memref<!tpu.dma_semaphore, #tpu.memory_space<semaphore_mem>>) {add = true}
        %dma_wait3A_68 = arith.constant 0 : i32
        %dma_wait3A_69 = tpu.memref_slice %arg7[%mul3A_35, %dma_wait3A_68] : memref<250x80xi32, #tpu.memory_space<vmem>> -> memref<1x80xi32, #tpu.memory_space<vmem>>
        %dma_wait3A_70 = tpu.memref_squeeze %dma_wait3A_69 : memref<1x80xi32, #tpu.memory_space<vmem>> -> memref<80xi32, #tpu.memory_space<vmem>>
        %dma_wait3A_71 = arith.constant 0 : i32
        %dma_wait3A_72 = arith.constant 0 : i32
        %dma_wait3A_73 = tpu.memref_slice %arg11[%dma_wait3A_71, %dma_wait3A_72] : memref<10000x64xf32, #tpu.memory_space<vmem_shared>> -> memref<10000x64xf32, #tpu.memory_space<vmem_shared>>
        tpu.wait_indirect_dma semaphore(%run_scoped3A : memref<!tpu.dma_semaphore, #tpu.memory_space<semaphore_mem>>) src(%arg8 : memref<80x64xf32, #tpu.memory_space<vmem>>) dst(%dma_wait3A_73 : memref<10000x64xf32, #tpu.memory_space<vmem_shared>>)
        tpu.yield
      }) : () -> ()
      %dma_wait3A_54 = arith.constant 0 : i32
      %dma_wait3A_55 = tpu.memref_slice %arg6[%add3A_42, %dma_wait3A_54] : memref<250x80xi32, #tpu.memory_space<vmem>> -> memref<1x80xi32, #tpu.memory_space<vmem>>
      %dma_wait3A_56 = tpu.memref_squeeze %dma_wait3A_55 : memref<1x80xi32, #tpu.memory_space<vmem>> -> memref<80xi32, #tpu.memory_space<vmem>>
      %dma_wait3A_57 = arith.constant 0 : i32
      %dma_wait3A_58 = arith.constant 0 : i32
      %dma_wait3A_59 = tpu.memref_slice %arg2[%dma_wait3A_57, %dma_wait3A_58] : memref<20000x64xf32, #tpu.memory_space<hbm>> -> memref<20000x64xf32, #tpu.memory_space<hbm>>
      tpu.wait_indirect_dma semaphore(%arg13 : memref<!tpu.dma_semaphore, #tpu.memory_space<semaphore_mem>>) src(%dma_wait3A_59 : memref<20000x64xf32, #tpu.memory_space<hbm>>) dst(%arg9 : memref<80x64xf32, #tpu.memory_space<vmem>>)
      %add3A_60 = arith.constant 1 : i32
      %add3A_61 = arith.addi %mul3A_35, %add3A_60 : i32
      "tpu.region"() ({
        %run_scoped3A = tpu.sem_alloc : memref<!tpu.dma_semaphore, #tpu.memory_space<semaphore_mem>>
        %dma_start3A_62 = arith.constant 0 : i32
        %dma_start3A_63 = tpu.memref_slice %arg7[%add3A_61, %dma_start3A_62] : memref<250x80xi32, #tpu.memory_space<vmem>> -> memref<1x80xi32, #tpu.memory_space<vmem>>
        %dma_start3A_64 = tpu.memref_squeeze %dma_start3A_63 : memref<1x80xi32, #tpu.memory_space<vmem>> -> memref<80xi32, #tpu.memory_space<vmem>>
        %dma_start3A_65 = arith.constant 0 : i32
        %dma_start3A_66 = arith.constant 0 : i32
        %dma_start3A_67 = tpu.memref_slice %arg11[%dma_start3A_65, %dma_start3A_66] : memref<10000x64xf32, #tpu.memory_space<vmem_shared>> -> memref<10000x64xf32, #tpu.memory_space<vmem_shared>>
        tpu.enqueue_indirect_dma source(%arg9 : memref<80x64xf32, #tpu.memory_space<vmem>>) target(%dma_start3A_67 : memref<10000x64xf32, #tpu.memory_space<vmem_shared>>) offsets(%dma_start3A_64 : memref<80xi32, #tpu.memory_space<vmem>>) semaphore(%run_scoped3A : memref<!tpu.dma_semaphore, #tpu.memory_space<semaphore_mem>>) {add = true}
        %dma_wait3A_68 = arith.constant 0 : i32
        %dma_wait3A_69 = tpu.memref_slice %arg7[%add3A_61, %dma_wait3A_68] : memref<250x80xi32, #tpu.memory_space<vmem>> -> memref<1x80xi32, #tpu.memory_space<vmem>>
        %dma_wait3A_70 = tpu.memref_squeeze %dma_wait3A_69 : memref<1x80xi32, #tpu.memory_space<vmem>> -> memref<80xi32, #tpu.memory_space<vmem>>
        %dma_wait3A_71 = arith.constant 0 : i32
        %dma_wait3A_72 = arith.constant 0 : i32
        %dma_wait3A_73 = tpu.memref_slice %arg11[%dma_wait3A_71, %dma_wait3A_72] : memref<10000x64xf32, #tpu.memory_space<vmem_shared>> -> memref<10000x64xf32, #tpu.memory_space<vmem_shared>>
        tpu.wait_indirect_dma semaphore(%run_scoped3A : memref<!tpu.dma_semaphore, #tpu.memory_space<semaphore_mem>>) src(%arg9 : memref<80x64xf32, #tpu.memory_space<vmem>>) dst(%dma_wait3A_73 : memref<10000x64xf32, #tpu.memory_space<vmem_shared>>)
        tpu.yield
      }) : () -> ()
    }
    %scan3A_29 = arith.constant 125 : i32
    %barrier3A_30 = arith.constant 0 : index
    tpu.barrier barrier_id(%barrier3A_30)
    %mul3A_31 = arith.constant 625 : i32
    %mul3A_32 = arith.muli %arg1, %mul3A_31 : i32
    "tpu.region"() ({
      %run_scoped3A = tpu.sem_alloc : memref<!tpu.dma_semaphore, #tpu.memory_space<semaphore_mem>>
      %dma_start3A = arith.constant 0 : i32
      %dma_start3A_33 = arith.constant 0 : i32
      %dma_start3A_34 = tpu.memref_slice %arg5[%arg0, %arg1, %dma_start3A, %dma_start3A_33] : memref<2x16x625x64xf32, #tpu.memory_space<hbm>> -> memref<1x1x625x64xf32, #tpu.memory_space<hbm>>
      %dma_start3A_35 = tpu.memref_squeeze %dma_start3A_34 : memref<1x1x625x64xf32, #tpu.memory_space<hbm>> -> memref<625x64xf32, #tpu.memory_space<hbm>>
      %dma_start3A_36 = arith.constant 0 : i32
      %dma_start3A_37 = tpu.memref_slice %arg11[%mul3A_32, %dma_start3A_36] : memref<10000x64xf32, #tpu.memory_space<vmem_shared>> -> memref<625x64xf32, #tpu.memory_space<vmem_shared>>
      tpu.enqueue_dma source(%dma_start3A_37 : memref<625x64xf32, #tpu.memory_space<vmem_shared>>) target(%dma_start3A_35 : memref<625x64xf32, #tpu.memory_space<hbm>>) target_semaphore(%run_scoped3A : memref<!tpu.dma_semaphore, #tpu.memory_space<semaphore_mem>>)
      %dma_wait3A = arith.constant 0 : i32
      %dma_wait3A_38 = arith.constant 0 : i32
      %dma_wait3A_39 = tpu.memref_slice %arg5[%arg0, %arg1, %dma_wait3A, %dma_wait3A_38] : memref<2x16x625x64xf32, #tpu.memory_space<hbm>> -> memref<1x1x625x64xf32, #tpu.memory_space<hbm>>
      %dma_wait3A_40 = tpu.memref_squeeze %dma_wait3A_39 : memref<1x1x625x64xf32, #tpu.memory_space<hbm>> -> memref<625x64xf32, #tpu.memory_space<hbm>>
      %dma_wait3A_41 = arith.constant 0 : i32
      %dma_wait3A_42 = tpu.memref_slice %arg11[%mul3A_32, %dma_wait3A_41] : memref<10000x64xf32, #tpu.memory_space<vmem_shared>> -> memref<625x64xf32, #tpu.memory_space<vmem_shared>>
      tpu.wait_dma2 semaphore(%run_scoped3A : memref<!tpu.dma_semaphore, #tpu.memory_space<semaphore_mem>>) src(%dma_wait3A_42 : memref<625x64xf32, #tpu.memory_space<vmem_shared>>) dst(%dma_wait3A_40 : memref<625x64xf32, #tpu.memory_space<hbm>>)
      tpu.yield
    }) : () -> ()
    return
  }
}

module attributes {stable_mosaic.version = 14 : i64} {
  func.func @_tc_g1(%arg0: memref<10000x128xf32, #tpu.memory_space<vmem>>, %arg1: memref<128x128xf32, #tpu.memory_space<vmem>>, %arg2: memref<10000x1xf32, #tpu.memory_space<vmem>>, %arg3: memref<10000x128xf32, #tpu.memory_space<vmem>>) attributes {dimension_semantics = [], scalar_prefetch = 0 : i64, scratch_operands = 0 : i64, tpu.core_type = #tpu.core_type<tc>} {
    %get3A = arith.constant 0 : index
    %get3A_0 = arith.constant 0 : index
    %get3A_1 = vector.load %arg0[%get3A, %get3A_0] : memref<10000x128xf32, #tpu.memory_space<vmem>>, vector<10000x128xf32>
    %get3A_2 = arith.constant 0 : index
    %get3A_3 = arith.constant 0 : index
    %get3A_4 = vector.load %arg1[%get3A_2, %get3A_3] : memref<128x128xf32, #tpu.memory_space<vmem>>, vector<128x128xf32>
    %dot_general3A = arith.constant dense<0.000000e+00> : vector<10000x128xf32>
    %dot_general3A_5 = tpu.matmul %get3A_1, %get3A_4, %dot_general3A {dimension_numbers = #tpu.dot_dimension_numbers<[1], [0], [0], [1], [0, 0, 1, 1], [], []>, precision = #tpu.contract_precision<fp32>, transpose_lhs_hint = false} : vector<10000x128xf32>, vector<128x128xf32>, vector<10000x128xf32> -> vector<10000x128xf32>
    %get3A_6 = arith.constant 0 : index
    %get3A_7 = arith.constant 0 : index
    %get3A_8 = vector.load %arg2[%get3A_6, %get3A_7] : memref<10000x1xf32, #tpu.memory_space<vmem>>, vector<10000x1xf32>
    %mul3A = vector.broadcast %get3A_8 : vector<10000x1xf32> to vector<10000x128xf32>
    %mul3A_9 = arith.mulf %dot_general3A_5, %mul3A : vector<10000x128xf32>
    %swap3A = arith.constant 0 : index
    %swap3A_10 = arith.constant 0 : index
    %swap3A_11 = vector.load %arg3[%swap3A, %swap3A_10] : memref<10000x128xf32, #tpu.memory_space<vmem>>, vector<10000x128xf32>
    tpu.vector_store %arg3[%swap3A, %swap3A_10], %mul3A_9 {strides = array<i32>} : memref<10000x128xf32, #tpu.memory_space<vmem>>, vector<10000x128xf32>,
    return
  }
}

module attributes {stable_mosaic.version = 14 : i64} {
  func.func @_tc_mid(%arg0: memref<10000x128xf32, #tpu.memory_space<vmem>>, %arg1: memref<10000x128xf32, #tpu.memory_space<vmem>>, %arg2: memref<10000x1xf32, #tpu.memory_space<vmem>>, %arg3: memref<1x128xf32, #tpu.memory_space<vmem>>, %arg4: memref<1x1xf32, #tpu.memory_space<vmem>>, %arg5: memref<128x128xf32, #tpu.memory_space<vmem>>, %arg6: memref<10000x128xf32, #tpu.memory_space<vmem>>) attributes {dimension_semantics = [], scalar_prefetch = 0 : i64, scratch_operands = 0 : i64, tpu.core_type = #tpu.core_type<tc>} {
    %get3A = arith.constant 0 : index
    %get3A_0 = arith.constant 0 : index
    %get3A_1 = vector.load %arg0[%get3A, %get3A_0] : memref<10000x128xf32, #tpu.memory_space<vmem>>, vector<10000x128xf32>
    %get3A_2 = arith.constant 0 : index
    %get3A_3 = arith.constant 0 : index
    %get3A_4 = vector.load %arg1[%get3A_2, %get3A_3] : memref<10000x128xf32, #tpu.memory_space<vmem>>, vector<10000x128xf32>
    %add3A = arith.addf %get3A_1, %get3A_4 : vector<10000x128xf32>
    %get3A_5 = arith.constant 0 : index
    %get3A_6 = arith.constant 0 : index
    %get3A_7 = vector.load %arg2[%get3A_5, %get3A_6] : memref<10000x1xf32, #tpu.memory_space<vmem>>, vector<10000x1xf32>
    %mul3A = vector.broadcast %get3A_7 : vector<10000x1xf32> to vector<10000x128xf32>
    %mul3A_8 = arith.mulf %add3A, %mul3A : vector<10000x128xf32>
    %get3A_9 = arith.constant 0 : index
    %get3A_10 = arith.constant 0 : index
    %get3A_11 = vector.load %arg3[%get3A_9, %get3A_10] : memref<1x128xf32, #tpu.memory_space<vmem>>, vector<1x128xf32>
    %add3A_12 = vector.broadcast %get3A_11 : vector<1x128xf32> to vector<10000x128xf32>
    %add3A_13 = arith.addf %mul3A_8, %add3A_12 : vector<10000x128xf32>
    %get3A_14 = arith.constant 0 : index
    %get3A_15 = arith.constant 0 : index
    %get3A_16 = vector.load %arg4[%get3A_14, %get3A_15] : memref<1x1xf32, #tpu.memory_space<vmem>>, vector<1x1xf32>
    %get3A_17 = vector.extract %get3A_16[0, 0] : f32 from vector<1x1xf32>
    %ge3A = arith.constant 0.000000e+00 : f32
    %ge3A_18 = vector.broadcast %ge3A : f32 to vector<10000x128xf32>
    %ge3A_19 = arith.cmpf oge, %add3A_13, %ge3A_18 : vector<10000x128xf32>
    %mul3A_20 = vector.broadcast %get3A_17 : f32 to vector<10000x128xf32>
    %mul3A_21 = arith.mulf %mul3A_20, %add3A_13 : vector<10000x128xf32>
    %select_n3A = arith.select %ge3A_19, %add3A_13, %mul3A_21 : vector<10000x128xi1>, vector<10000x128xf32>
    %get3A_22 = arith.constant 0 : index
    %get3A_23 = arith.constant 0 : index
    %get3A_24 = vector.load %arg5[%get3A_22, %get3A_23] : memref<128x128xf32, #tpu.memory_space<vmem>>, vector<128x128xf32>
    %dot_general3A = arith.constant dense<0.000000e+00> : vector<10000x128xf32>
    %dot_general3A_25 = tpu.matmul %select_n3A, %get3A_24, %dot_general3A {dimension_numbers = #tpu.dot_dimension_numbers<[1], [0], [0], [1], [0, 0, 1, 1], [], []>, precision = #tpu.contract_precision<fp32>, transpose_lhs_hint = false} : vector<10000x128xf32>, vector<128x128xf32>, vector<10000x128xf32> -> vector<10000x128xf32>
    %get3A_26 = arith.constant 0 : index
    %get3A_27 = arith.constant 0 : index
    %get3A_28 = vector.load %arg2[%get3A_26, %get3A_27] : memref<10000x1xf32, #tpu.memory_space<vmem>>, vector<10000x1xf32>
    %mul3A_29 = vector.broadcast %get3A_28 : vector<10000x1xf32> to vector<10000x128xf32>
    %mul3A_30 = arith.mulf %dot_general3A_25, %mul3A_29 : vector<10000x128xf32>
    %swap3A = arith.constant 0 : index
    %swap3A_31 = arith.constant 0 : index
    %swap3A_32 = vector.load %arg6[%swap3A, %swap3A_31] : memref<10000x128xf32, #tpu.memory_space<vmem>>, vector<10000x128xf32>
    tpu.vector_store %arg6[%swap3A, %swap3A_31], %mul3A_30 {strides = array<i32>} : memref<10000x128xf32, #tpu.memory_space<vmem>>, vector<10000x128xf32>,
    return
  }
}

module attributes {stable_mosaic.version = 14 : i64} {
  func.func @_tc_fin(%arg0: memref<10000x128xf32, #tpu.memory_space<vmem>>, %arg1: memref<10000x128xf32, #tpu.memory_space<vmem>>, %arg2: memref<10000x1xf32, #tpu.memory_space<vmem>>, %arg3: memref<1x128xf32, #tpu.memory_space<vmem>>, %arg4: memref<1x1xf32, #tpu.memory_space<vmem>>, %arg5: memref<1x128xf32, #tpu.memory_space<vmem>>, %arg6: memref<1x128xf32, #tpu.memory_space<vmem>>, %arg7: memref<128x128xf32, #tpu.memory_space<vmem>>, %arg8: memref<1x128xf32, #tpu.memory_space<vmem>>, %arg9: memref<1x128xf32, #tpu.memory_space<vmem>>, %arg10: memref<1x128xf32, #tpu.memory_space<vmem>>, %arg11: memref<1x1xf32, #tpu.memory_space<vmem>>, %arg12: memref<10000x128xf32, #tpu.memory_space<vmem>>, %arg13: memref<10000x128xf32, #tpu.memory_space<vmem>>) attributes {dimension_semantics = [], scalar_prefetch = 0 : i64, scratch_operands = 0 : i64, tpu.core_type = #tpu.core_type<tc>} {
    %get3A = arith.constant 0 : index
    %get3A_0 = arith.constant 0 : index
    %get3A_1 = vector.load %arg0[%get3A, %get3A_0] : memref<10000x128xf32, #tpu.memory_space<vmem>>, vector<10000x128xf32>
    %get3A_2 = arith.constant 0 : index
    %get3A_3 = arith.constant 0 : index
    %get3A_4 = vector.load %arg1[%get3A_2, %get3A_3] : memref<10000x128xf32, #tpu.memory_space<vmem>>, vector<10000x128xf32>
    %add3A = arith.addf %get3A_1, %get3A_4 : vector<10000x128xf32>
    %get3A_5 = arith.constant 0 : index
    %get3A_6 = arith.constant 0 : index
    %get3A_7 = vector.load %arg2[%get3A_5, %get3A_6] : memref<10000x1xf32, #tpu.memory_space<vmem>>, vector<10000x1xf32>
    %mul3A = vector.broadcast %get3A_7 : vector<10000x1xf32> to vector<10000x128xf32>
    %mul3A_8 = arith.mulf %add3A, %mul3A : vector<10000x128xf32>
    %get3A_9 = arith.constant 0 : index
    %get3A_10 = arith.constant 0 : index
    %get3A_11 = vector.load %arg3[%get3A_9, %get3A_10] : memref<1x128xf32, #tpu.memory_space<vmem>>, vector<1x128xf32>
    %add3A_12 = vector.broadcast %get3A_11 : vector<1x128xf32> to vector<10000x128xf32>
    %add3A_13 = arith.addf %mul3A_8, %add3A_12 : vector<10000x128xf32>
    %get3A_14 = arith.constant 0 : index
    %get3A_15 = arith.constant 0 : index
    %get3A_16 = vector.load %arg4[%get3A_14, %get3A_15] : memref<1x1xf32, #tpu.memory_space<vmem>>, vector<1x1xf32>
    %get3A_17 = vector.extract %get3A_16[0, 0] : f32 from vector<1x1xf32>
    %ge3A = arith.constant 0.000000e+00 : f32
    %ge3A_18 = vector.broadcast %ge3A : f32 to vector<10000x128xf32>
    %ge3A_19 = arith.cmpf oge, %add3A_13, %ge3A_18 : vector<10000x128xf32>
    %mul3A_20 = vector.broadcast %get3A_17 : f32 to vector<10000x128xf32>
    %mul3A_21 = arith.mulf %mul3A_20, %add3A_13 : vector<10000x128xf32>
    %select_n3A = arith.select %ge3A_19, %add3A_13, %mul3A_21 : vector<10000x128xi1>, vector<10000x128xf32>
    %reduce_sum3A = arith.constant dense<0.000000e+00> : vector<128xf32>
    %reduce_sum3A_22 = vector.multi_reduction <add>, %select_n3A, %reduce_sum3A [0] : vector<10000x128xf32> to vector<128xf32>
    %broadcast_in_dim3A = vector.shape_cast %reduce_sum3A_22 : vector<128xf32> to vector<1x128xf32>
    %div3A = arith.constant 1.000000e+04 : f32
    %div3A_23 = vector.broadcast %div3A : f32 to vector<1x128xf32>
    %div3A_24 = arith.divf %broadcast_in_dim3A, %div3A_23 : vector<1x128xf32>
    %sub3A = vector.broadcast %div3A_24 : vector<1x128xf32> to vector<10000x128xf32>
    %sub3A_25 = arith.subf %select_n3A, %sub3A : vector<10000x128xf32>
    %integer_pow3A = arith.mulf %sub3A_25, %sub3A_25 : vector<10000x128xf32>
    %reduce_sum3A_26 = arith.constant dense<0.000000e+00> : vector<128xf32>
    %reduce_sum3A_27 = vector.multi_reduction <add>, %integer_pow3A, %reduce_sum3A_26 [0] : vector<10000x128xf32> to vector<128xf32>
    %broadcast_in_dim3A_28 = vector.shape_cast %reduce_sum3A_27 : vector<128xf32> to vector<1x128xf32>
    %div3A_29 = arith.constant 1.000000e+04 : f32
    %div3A_30 = vector.broadcast %div3A_29 : f32 to vector<1x128xf32>
    %div3A_31 = arith.divf %broadcast_in_dim3A_28, %div3A_30 : vector<1x128xf32>
    %sub3A_32 = vector.broadcast %div3A_24 : vector<1x128xf32> to vector<10000x128xf32>
    %sub3A_33 = arith.subf %select_n3A, %sub3A_32 : vector<10000x128xf32>
    %add3A_34 = arith.constant 9.99999974E-6 : f32
    %add3A_35 = vector.broadcast %add3A_34 : f32 to vector<1x128xf32>
    %add3A_36 = arith.addf %div3A_31, %add3A_35 : vector<1x128xf32>
    %rsqrt3A = math.rsqrt %add3A_36 : vector<1x128xf32>
    %mul3A_37 = vector.broadcast %rsqrt3A : vector<1x128xf32> to vector<10000x128xf32>
    %mul3A_38 = arith.mulf %sub3A_33, %mul3A_37 : vector<10000x128xf32>
    %get3A_39 = arith.constant 0 : index
    %get3A_40 = arith.constant 0 : index
    %get3A_41 = vector.load %arg5[%get3A_39, %get3A_40] : memref<1x128xf32, #tpu.memory_space<vmem>>, vector<1x128xf32>
    %mul3A_42 = vector.broadcast %get3A_41 : vector<1x128xf32> to vector<10000x128xf32>
    %mul3A_43 = arith.mulf %mul3A_38, %mul3A_42 : vector<10000x128xf32>
    %get3A_44 = arith.constant 0 : index
    %get3A_45 = arith.constant 0 : index
    %get3A_46 = vector.load %arg6[%get3A_44, %get3A_45] : memref<1x128xf32, #tpu.memory_space<vmem>>, vector<1x128xf32>
    %add3A_47 = vector.broadcast %get3A_46 : vector<1x128xf32> to vector<10000x128xf32>
    %add3A_48 = arith.addf %mul3A_43, %add3A_47 : vector<10000x128xf32>
    %get3A_49 = arith.constant 0 : index
    %get3A_50 = arith.constant 0 : index
    %get3A_51 = vector.load %arg7[%get3A_49, %get3A_50] : memref<128x128xf32, #tpu.memory_space<vmem>>, vector<128x128xf32>
    %dot_general3A = arith.constant dense<0.000000e+00> : vector<10000x128xf32>
    %dot_general3A_52 = tpu.matmul %add3A_48, %get3A_51, %dot_general3A {dimension_numbers = #tpu.dot_dimension_numbers<[1], [0], [0], [1], [0, 0, 1, 1], [], []>, precision = #tpu.contract_precision<fp32>, transpose_lhs_hint = false} : vector<10000x128xf32>, vector<128x128xf32>, vector<10000x128xf32> -> vector<10000x128xf32>
    %get3A_53 = arith.constant 0 : index
    %get3A_54 = arith.constant 0 : index
    %get3A_55 = vector.load %arg8[%get3A_53, %get3A_54] : memref<1x128xf32, #tpu.memory_space<vmem>>, vector<1x128xf32>
    %add3A_56 = vector.broadcast %get3A_55 : vector<1x128xf32> to vector<10000x128xf32>
    %add3A_57 = arith.addf %dot_general3A_52, %add3A_56 : vector<10000x128xf32>
    %reduce_sum3A_58 = arith.constant dense<0.000000e+00> : vector<128xf32>
    %reduce_sum3A_59 = vector.multi_reduction <add>, %add3A_57, %reduce_sum3A_58 [0] : vector<10000x128xf32> to vector<128xf32>
    %broadcast_in_dim3A_60 = vector.shape_cast %reduce_sum3A_59 : vector<128xf32> to vector<1x128xf32>
    %div3A_61 = arith.constant 1.000000e+04 : f32
    %div3A_62 = vector.broadcast %div3A_61 : f32 to vector<1x128xf32>
    %div3A_63 = arith.divf %broadcast_in_dim3A_60, %div3A_62 : vector<1x128xf32>
    %sub3A_64 = vector.broadcast %div3A_63 : vector<1x128xf32> to vector<10000x128xf32>
    %sub3A_65 = arith.subf %add3A_57, %sub3A_64 : vector<10000x128xf32>
    %integer_pow3A_66 = arith.mulf %sub3A_65, %sub3A_65 : vector<10000x128xf32>
    %reduce_sum3A_67 = arith.constant dense<0.000000e+00> : vector<128xf32>
    %reduce_sum3A_68 = vector.multi_reduction <add>, %integer_pow3A_66, %reduce_sum3A_67 [0] : vector<10000x128xf32> to vector<128xf32>
    %broadcast_in_dim3A_69 = vector.shape_cast %reduce_sum3A_68 : vector<128xf32> to vector<1x128xf32>
    %div3A_70 = arith.constant 1.000000e+04 : f32
    %div3A_71 = vector.broadcast %div3A_70 : f32 to vector<1x128xf32>
    %div3A_72 = arith.divf %broadcast_in_dim3A_69, %div3A_71 : vector<1x128xf32>
    %sub3A_73 = vector.broadcast %div3A_63 : vector<1x128xf32> to vector<10000x128xf32>
    %sub3A_74 = arith.subf %add3A_57, %sub3A_73 : vector<10000x128xf32>
    %add3A_75 = arith.constant 9.99999974E-6 : f32
    %add3A_76 = vector.broadcast %add3A_75 : f32 to vector<1x128xf32>
    %add3A_77 = arith.addf %div3A_72, %add3A_76 : vector<1x128xf32>
    %rsqrt3A_78 = math.rsqrt %add3A_77 : vector<1x128xf32>
    %mul3A_79 = vector.broadcast %rsqrt3A_78 : vector<1x128xf32> to vector<10000x128xf32>
    %mul3A_80 = arith.mulf %sub3A_74, %mul3A_79 : vector<10000x128xf32>
    %get3A_81 = arith.constant 0 : index
    %get3A_82 = arith.constant 0 : index
    %get3A_83 = vector.load %arg9[%get3A_81, %get3A_82] : memref<1x128xf32, #tpu.memory_space<vmem>>, vector<1x128xf32>
    %mul3A_84 = vector.broadcast %get3A_83 : vector<1x128xf32> to vector<10000x128xf32>
    %mul3A_85 = arith.mulf %mul3A_80, %mul3A_84 : vector<10000x128xf32>
    %get3A_86 = arith.constant 0 : index
    %get3A_87 = arith.constant 0 : index
    %get3A_88 = vector.load %arg10[%get3A_86, %get3A_87] : memref<1x128xf32, #tpu.memory_space<vmem>>, vector<1x128xf32>
    %add3A_89 = vector.broadcast %get3A_88 : vector<1x128xf32> to vector<10000x128xf32>
    %add3A_90 = arith.addf %mul3A_85, %add3A_89 : vector<10000x128xf32>
    %get3A_91 = arith.constant 0 : index
    %get3A_92 = arith.constant 0 : index
    %get3A_93 = vector.load %arg11[%get3A_91, %get3A_92] : memref<1x1xf32, #tpu.memory_space<vmem>>, vector<1x1xf32>
    %get3A_94 = vector.extract %get3A_93[0, 0] : f32 from vector<1x1xf32>
    %swap3A = arith.constant 0 : index
    %swap3A_95 = arith.constant 0 : index
    %swap3A_96 = vector.load %arg12[%swap3A, %swap3A_95] : memref<10000x128xf32, #tpu.memory_space<vmem>>, vector<10000x128xf32>
    tpu.vector_store %arg12[%swap3A, %swap3A_95], %add3A_48 {strides = array<i32>} : memref<10000x128xf32, #tpu.memory_space<vmem>>, vector<10000x128xf32>,
    %ge3A_97 = arith.constant 0.000000e+00 : f32
    %ge3A_98 = vector.broadcast %ge3A_97 : f32 to vector<10000x128xf32>
    %ge3A_99 = arith.cmpf oge, %add3A_90, %ge3A_98 : vector<10000x128xf32>
    %mul3A_100 = vector.broadcast %get3A_94 : f32 to vector<10000x128xf32>
    %mul3A_101 = arith.mulf %mul3A_100, %add3A_90 : vector<10000x128xf32>
    %select_n3A_102 = arith.select %ge3A_99, %add3A_90, %mul3A_101 : vector<10000x128xi1>, vector<10000x128xf32>
    %swap3A_103 = arith.constant 0 : index
    %swap3A_104 = arith.constant 0 : index
    %swap3A_105 = vector.load %arg13[%swap3A_103, %swap3A_104] : memref<10000x128xf32, #tpu.memory_space<vmem>>, vector<10000x128xf32>
    tpu.vector_store %arg13[%swap3A_103, %swap3A_104], %select_n3A_102 {strides = array<i32>} : memref<10000x128xf32, #tpu.memory_space<vmem>>, vector<10000x128xf32>,
    return
  }
}

</mosaic_0001>

<sc_bundles>
// kernel: kernel.11.cloned.1.call-start
scs
__scs_entry_jumppad:
0x0: {  	(pc) =	sbr.rel $0x88, $3  }
0x1: {  	(tag) =	ssettag $0x0;
	lr =	simm.s32 $0x1  }
0x2: {  	[smem:$0x3F93] =	sst lr;
	_ =	strace $0xD0000000  }
0x3: {  	_ = 	snop  }
0x4: {  	_ = 	snop  }
0x5: {  	_ = 	snop  }
0x6: {  	_ = 	snop  }
0x7: {  	_ = 	snop  }
__scs_overlays_trampoline_lowered:
0x8: {  	[smem:$0x3FA2] =	sst s0  }
0x9: {  	[smem:$0x3FA3] =	sst s1  }
0xa: {  	[smem:$0x3FA4] =	sst s2  }
0xb: {  	[smem:$0x3FA5] =	sst s3  }
0xc: {  	[smem:$0x3FA6] =	sst s4  }
0xd: {  	[smem:$0x3FA7] =	sst s5  }
0xe: {  	[smem:$0x3FA8] =	sst s6  }
0xf: {  	[smem:$0x3FA9] =	sst s7  }
0x10: {  	[smem:$0x3FAA] =	sst s8  }
0x11: {  	[smem:$0x3FAB] =	sst s9;
	s0 =	simm.s32 @!p0 $0x0  }
0x12: {  	s1 =	sld [smem:$0x3F91];
	s0 =	simm.s32 @p0 $0x1  }
0x13: {  	[smem:$0x3FAC] =	sst s0;
	s0 =	simm.s32 @!p1 $0x0  }
0x14: {  	s2 =	sld [smem:$0x3F90];
	s0 =	simm.s32 @p1 $0x1  }
0x15: {  	[smem:$0x3FAD] =	sst s0;
	s0 =	simm.s32 @!p2 $0x0  }
0x16: {  	s3 =	sld [smem:$0x3FDB];
	s0 =	simm.s32 @p2 $0x1  }
0x17: {  	s4 =	simm.s32 $0x1BF5;
	[smem:$0x3FAF] =	sst s0  }
0x18: {  	s0 =	sld [smem:$0x3F92];
	_ =	swait.ge [sflag:s4], $0x0  }
0x19: {  	s7 =	sld [smem:$0x3F93]  }
0x1a: {  	s8 =	sadd.s32 $0xFFFFE003, lr  }
0x1b: {  	s9 =	sadd.s32 $0xFFFFFEF7, lr;
	s5 =	simm.s32 $0xFFFFFFFF;
	p2 =	slt.u32 s8, $0xFFFFF086  }
0x1c: {  	p1 =	slt.u32 s9, $0xF7A;
	s5 =	simm.s32 @!p2 $0x0  }
0x1d: {  	s5 =	simm.s32 @p1 $0x1;
	p0 =	seq.s32 s7, s2  }
0x1e: {  	s7 =	smul.u32 @!p0 $0xF7A, s2;
	p2 =	seq.s32 @!p0 s5, $0x0  }
0x1f: {  	s9 =	smul.u32 $0xF7A, s1;
	s8 =	simm.s32 @!p0 $0x1BF5;
	p2 =	por !p2, p0  }
0x20: {  	[sflag:s8] =	ssyncset.s32 @!p0 $0xFFFFF086;
	s6 =	sadd.s32 @!p0 s3, s7;
	s7 =	simm.s32 @!p0 $0x108  }
0x21: {  	s3 =	sadd.s32 s3, s9;
	s6 =	sadd.s32 @!p0 $0x88, s6;
	s7 =	simm.s32 @p2 $0x1082  }
0x22: {  	[simem:s7], [sflag:s8] =	dma.local @!p0 [hbm:s6], $0xF7A  }
0x23: {  	s9 =	sor.u32 $0xD0000000, s2;
	s6 =	simm.s32 $0x108;
	_ =	swait.ge @!p0 [sflag:s8], $0x0  }
0x24: {  	s3 =	sadd.s32 $0x88, s3;
	s6 =	simm.s32 @!p1 $0x1082;
	[sflag:s4] =	ssyncset.s32 $0xFFFFF086  }
0x25: {  	[simem:s6], [sflag:s4] =	dma.local [hbm:s3], $0xF7A  }
0x26: {  	[smem:$0x3F93] =	sst s1;
	(tag) =	ssettag s2;
	_ =	strace s9  }
0x27: {  	s1 =	sld [smem:$0x3FA3]  }
0x28: {  	s2 =	sld [smem:$0x3FA4]  }
0x29: {  	s4 =	sld [smem:$0x3FA6]  }
0x2a: {  	p0 =	seq.s32 s5, $0x0;
	s5 =	sld [smem:$0x3FA7]  }
0x2b: {  	s6 =	sld [smem:$0x3FA8]  }
0x2c: {  	s7 =	sld [smem:$0x3FA9]  }
0x2d: {  	s3 =	simm.s32 $0x108;
	s8 =	sld [smem:$0x3FAA]  }
0x2e: {  	s3 =	simm.s32 @!p0 $0x1082;
	s9 =	sld [smem:$0x3FAB]  }
0x2f: {  	lr =	sadd.s32 s0, s3;
	s0 =	sld [smem:$0x3FA2]  }
0x30: {  	s3 =	sld [smem:$0x3FA5]  }
0x31: {  	[smem:$0x3FAE] =	sst s10  }
0x32: {  	s10 =	sld [smem:$0x3FAC];
	_ =	sdelay $0x3  }
0x33: {  	p0 =	seq.s32 s10, $0x1;
	s10 =	sld [smem:$0x3FAE];
	_ =	sdelay $0x3  }
0x34: {  	[smem:$0x3FAE] =	sst s10  }
0x35: {  	s10 =	sld [smem:$0x3FAD];
	_ =	sdelay $0x3  }
0x36: {  	p1 =	seq.s32 s10, $0x1;
	s10 =	sld [smem:$0x3FAE];
	_ =	sdelay $0x3  }
0x37: {  	[smem:$0x3FAE] =	sst s10  }
0x38: {  	s10 =	sld [smem:$0x3FAF]  }
0x39: {  	_ = 	snop;
	(pc) =	sbr.ind lr, $3  }
0x3a: {  	_ = 	snop  }
0x3b: {  	_ = 	snop  }
0x3c: {  	p2 =	seq.s32 s10, $0x1;
	s10 =	sld [smem:$0x3FAE]  }
0x3d: {  	_ =	shalt  }
0x3e: {  	_ =	shalt  }
0x3f: {  	_ =	shalt  }
0x40: {  	_ =	shalt  }
0x41: {  	_ =	shalt  }
0x42: {  	_ =	shalt  }
0x43: {  	_ =	shalt  }
0x44: {  	_ =	shalt  }
0x45: {  	_ =	shalt  }
0x46: {  	_ =	shalt  }
0x47: {  	_ =	shalt  }
0x48: {  	_ =	shalt  }
0x49: {  	_ =	shalt  }
0x4a: {  	_ =	shalt  }
0x4b: {  	_ =	shalt  }
0x4c: {  	_ =	shalt  }
0x4d: {  	_ =	shalt  }
0x4e: {  	_ =	shalt  }
0x4f: {  	_ =	shalt  }
0x50: {  	_ =	shalt  }
0x51: {  	_ =	shalt  }
0x52: {  	_ =	shalt  }
0x53: {  	_ =	shalt  }
0x54: {  	_ =	shalt  }
0x55: {  	_ =	shalt  }
0x56: {  	_ =	shalt  }
0x57: {  	_ =	shalt  }
0x58: {  	_ =	shalt  }
0x59: {  	_ =	shalt  }
0x5a: {  	_ =	shalt  }
0x5b: {  	_ =	shalt  }
0x5c: {  	_ =	shalt  }
0x5d: {  	_ =	shalt  }
0x5e: {  	_ =	shalt  }
0x5f: {  	_ =	shalt  }
0x60: {  	_ =	shalt  }
0x61: {  	_ =	shalt  }
0x62: {  	_ =	shalt  }
0x63: {  	_ =	shalt  }
0x64: {  	_ =	shalt  }
0x65: {  	_ =	shalt  }
0x66: {  	_ =	shalt  }
0x67: {  	_ =	shalt  }
0x68: {  	_ =	shalt  }
0x69: {  	_ =	shalt  }
0x6a: {  	_ =	shalt  }
0x6b: {  	_ =	shalt  }
0x6c: {  	_ =	shalt  }
0x6d: {  	_ =	shalt  }
0x6e: {  	_ =	shalt  }
0x6f: {  	_ =	shalt  }
0x70: {  	_ =	shalt  }
0x71: {  	_ =	shalt  }
0x72: {  	_ =	shalt  }
0x73: {  	_ =	shalt  }
0x74: {  	_ =	shalt  }
0x75: {  	_ =	shalt  }
0x76: {  	_ =	shalt  }
0x77: {  	_ =	shalt  }
0x78: {  	_ =	shalt  }
0x79: {  	_ =	shalt  }
0x7a: {  	_ =	shalt  }
0x7b: {  	_ =	shalt  }
0x7c: {  	_ =	shalt  }
0x7d: {  	_ =	shalt  }
0x7e: {  	_ =	shalt  }
0x7f: {  	_ =	shalt  }
0x80: {  	_ =	shalt  }
0x81: {  	_ =	shalt  }
0x82: {  	_ =	shalt  }
0x83: {  	_ =	shalt  }
0x84: {  	_ =	shalt  }
0x85: {  	_ =	shalt  }
0x86: {  	_ =	shalt  }
0x87: {  	_ =	shalt  }
.Lfunc_end0:
.L_simem_size_0:
called_computation.1_lowered:
.L_overlay_start_0:
0x88: {  	s2 =	sld [smem:$0x3FD9]  }
0x89: {  	s3 =	sld [smem:$0x3FFE];
	_ =	sdelay $0x1  }
0x8a: {  	s1 =	srdreg.scid  }
0x8b: {  	s0 =	sand.u32 $0x1, s1  }
0x8c: {  	s14 =	sshll.u32 s0, $0xA;
	s2 =	sadd.s32 s3, s2  }
0x8d: {  	s2 =	sadd.s32 s2, s14  }
0x8e: {  	[smem:$0x3FBA] =	sst s2  }
0x8f: {  	_ = 	snop  }
0x90: {  	s2 =	sld [smem:$0x3FD0];
	_ =	sdelay $0x2  }
0x91: {  	s15 =	simm.s32 $0xA;
	s4 =	simm.s32 $0x10  }
0x92: {  	[smem:s4], [sflag:s15] =	dma.local [hbm:s2], $0x1  }
0x93: {  	_ =	swait.eq [sflag:s15], $0x1  }
0x94: {  	[sflag:s15] =	ssyncset.done $0x0  }
0x95: {  	s16 =	sld [smem:$0x10];
	[sflag:s15] =	ssyncadd.s32 $0xFFFFFFFF  }
0x96: {  	s17 =	sld [smem:$0x11];
	(tm) =	ssettm $0x1  }
0x97: {  	s18 =	sld [smem:$0x3FFB];
	_ =	sdelay $0x3  }
0x98: {  	_ =	strace s18  }
0x99: {  	s4 =	sld [smem:$0x3FFC];
	_ =	sdelay $0x3  }
0x9a: {  	_ =	strace s4  }
0x9b: {  	s4 =	sld [smem:$0x3FFD];
	_ =	sdelay $0x3  }
0x9c: {  	_ =	strace s4  }
0x9d: {  	_ =	strace $0x8FFFFFFF  }
0x9e: {  	s19 =	sld [smem:$0x3FDB];
	_ =	sdelay $0x1  }
0x9f: {  	s5 =	simm.s32 $_scs_section_size  }
0xa0: {  	s6 =	simm.s32 $_size__tile_overlayer_lowered;
	s7 =	simm.s32 $_tile_overlayer_lowered  }
0xa1: {  	s22 =	simm.s32 $0x1BFF;
	s21 =	sshll.u32 s7, $0x1;
	s4 =	sadd.s32 s5, s19  }
0xa2: {  	s8 =	simm.s32 $0x0;
	s20 =	sshll.u32 s6, $0x1;
	s6 =	sadd.s32 s21, s4  }
0xa3: {  	[timem:s8], [sflag:s22] =	dma.local [hbm:s6], s20  }
0xa4: {  	_ =	swait.ge [sflag:s22], s20  }
0xa5: {  	s5 =	ssub.s32 $0x0, s20;
	[sflag:s22] =	ssyncset.done $0x0  }
0xa6: {  	[sflag:s22] =	ssyncadd.s32 s5;
	_ =	sdelay $0x1  }
0xa7: {  	s23 =	simm.s32 $0x1B8B  }
0xa8: {  	_ =	swait.ge [sflag:s23], $0x1  }
0xa9: {  	[sflag:s23] =	ssyncset.done $0x0  }
0xaa: {  	s25 =	simm.s32 $0x1B8E;
	s24 =	sld [smem:$0x3FFE];
	[sflag:s23] =	ssyncadd.s32 $0xFFFFFFFF  }
0xab: {  	s26 =	simm.s32 $execute0_lowered;
	[smem:$0x3FD2] =	sst s25  }
0xac: {  	s6 =	sshll.u32 s26, $0x1;
	_ =	strace $0x80000049;
	[dreg:$0x1] =	wrdreg $0xFFFFFFFF  }
0xad: {  	s28 =	simm.s32 $_size_execute0_lowered;
	s4 =	sadd.s32 s4, s6;
	[dreg:$0x0] =	wrdreg $0x0  }
0xae: {  	s6 =	sshll.u32 s28, $0x1;
	[dreg:$0x2] =	wrdreg s4  }
0xaf: {  	[dreg:$0x3] =	wrdreg s6  }
0xb0: {  	[dreg:$0x4] =	wrdreg $0xC0  }
0xb1: {  	_ =	task [dreg:s8], $0x5FFFF  }
0xb2: {  	[dreg:$0x1] =	wrdreg $0xFFFFFFFF  }
0xb3: {  	[dreg:$0x0] =	wrdreg $0x60  }
0xb4: {  	[dreg:$0x2] =	wrdreg s17  }
0xb5: {  	[dreg:$0x3] =	wrdreg s24  }
0xb6: {  	[dreg:$0x4] =	wrdreg s16  }
0xb7: {  	[dreg:$0x5] =	wrdreg $0xE3800  }
0xb8: {  	[dreg:$0x6] =	wrdreg $0x9  }
0xb9: {  	_ =	task.clear_ibuf [dreg:s8], $0x7FFFF;
	_ =	strace $0x90000049  }
0xba: {  	s29 =	simm.s32 $0x9;
	_ =	strace $0x8000004B  }
0xbb: {  	_ =	swait.ge [sflag:s29], $0x1  }
0xbc: {  	[sflag:s29] =	ssyncadd.s32 $0xFFFFFFFF  }
0xbd: {  	_ =	strace $0x9000004B  }
0xbe: {  	_ =	sfence  }
0xbf: {  	s30 =	sld [smem:$0x0];
	_ =	sdelay $0x2  }
0xc0: {  	s31 =	sshll.u32 s1, $0xD;
	s1 =	sshrl.u32 s1, $0x2  }
0xc1: {  	s3 =	sand.u32 $0x4000, s31;
	s1 =	sadd.s32 s1, s30  }
0xc2: {  	s0 =	sor.u32 s3, s0;
	s1 =	sshll.u32 s1, $0x11  }
0xc3: {  	s0 =	sor.u32 s1, s0  }
0xc4: {  	s0 =	sadd.s32 $0x8F2B, s0  }
0xc5: {  	[sflag:s0] =	ssyncadd.remote.s32 $0x1  }
0xc6: {  	_ =	sfence.sel $0xFFFF  }
0xc7: {  	[dreg:$0x0] =	wrdreg $0xFFFFFFFF;
	(pc) =	sbr.abs _section_cstart, $3  }
0xc8: {  	[dreg:$0x1] =	wrdreg $0xFFFFFFFF  }
0xc9: {  	_ =	task.clear_ibuf [dreg:s8], $0x2FFFF;
	_ =	strace $0x9FFFFFFF  }
0xca: {  	(tm) =	ssettm $0x7FFFFFFF  }
0xcb: {  	_ =	shalt  }
tec
execute0_lowered:
.L_overlay_start_1:
0x0: {  	(tag) =	ssettag $0x1  }
0x1: {  	s1 =	rddreg [dreg:$0x0]  }
0x2: {  	s2 =	srdreg.scid;
	s5 =	rddreg [dreg:$0x1]  }
0x3: {  	s0 =	stileid.u32;
	s12 =	rddreg [dreg:$0x2]  }
0x4: {  	s3 =	rddreg [dreg:$0x3];
	s4 =	simm.s32 $0x0;
	s16 =	simm.s32 $0x4E20  }
0x5: {  	s17 =	simm.s32 $0x50;
	s18 =	simm.s32 $0x9C40;
	s7 =	smul.u32 $0x4E20, s0  }
0x6: {  	s19 =	simm.s32 $0xB040;
	s20 =	simm.s32 $0x1;
	s30 =	smul.u32 $0x27100, s0  }
0x7: {  	s6 =	sand.u32 $0x1, s2;
	s2 =	rddreg [dreg:$0x4];
	s13 =	smul.u32 $0x9C40, s0  }
0x8: {  	s21 =	simm.s32 $0x2;
	[smem:$0x7FF] =	sst s4;
	s8 =	smul.u32 $0x4E200, s6  }
0x9: {  	_ =	strace $0x8000004A;
	s9 =	ssub.s32 $0x2, s6;
	s11 =	smul.u32 $0x9C400, s6  }
0xa: {  	s31 =	sshrl.u32 s9, $0x1;
	s8 =	sadd.s32 s7, s8;
	s7 =	sshrl.u32 s7, $0x3  }
0xb: {  	s15 =	ssub.s32 s9, s31;
	s11 =	sadd.s32 s13, s11;
	s8 =	sshrl.u32 s8, $0x3  }
0xc: {  	s14 =	sadd.s32 s7, s5;
	s13 =	sshrl.u32 s11, $0x3;
	s10 =	sadd.s32 s8, s5  }
0xd: {  	s8 =	sshrl.u32 s30, $0x2;
	s11 =	sadd.s32 $0x3A00, s14;
	s12 =	sadd.s32 s12, s13  }
0xe: {  	s13 =	smax.u32 s15, $0x1;
	s14 =	simm.s32 $0xC440;
	s5 =	sadd.s32 s8, s3  }
0xf: {  	s15 =	simm.s32 $0x3;
	s10 =	sadd.s32 $0xD800, s10;
	s6 =	sadd.s32 $0x1F40, s5  }
0x10: {  	v0 =	vimm.f32 $0.0e+00;
	s7 =	sadd.s32 $0x3E80, s5;
	s8 =	sadd.s32 $0x5DC0, s5;
	s9 =	sadd.s32 $0x7D00, s5  }
.LBB2_1:
0x11: {  	s23 =	simm.s32 $0x100;
	s22 =	simm.s32 $0x0  }
.LBB2_2:
0x12: {  	p0 =	sne.s32 s23, $0x7C00;
	[tilespmem:s22+$0xC470] =	vst v0;
	s24 =	smov.u32 s23;
	s23 =	sadd.s32 $0x100, s23  }
.Ltmp0:
0x13: {  	[tilespmem:s22+$0xC460] =	vst v0;
	(pc) =	sbr.rel @p0 .LBB2_2-.Ltmp0, $3  }
0x14: {  	[tilespmem:s22+$0xC440] =	vst v0  }
0x15: {  	[tilespmem:s22+$0xC450] =	vst v0;
	_ =	sdelay $0x1  }
0x16: {  	s22 =	sshra.s32 s24, $0x2  }
0x17: {  	[tilespmem:s22+$0xC470] =	vst v0  }
0x18: {  	[tilespmem:s22+$0xC460] =	vst v0  }
0x19: {  	[tilespmem:s22+$0xC440] =	vst v0  }
0x1a: {  	[tilespmem:s22+$0xC450] =	vst v0  }
0x1b: {  	[spmem:s5] =	stream.linear.scatter [tilespmem:s14], [sflag:$0x3], $0x1F40, $0x38;
	[tilespmem:$0x17FC0] =	vst v63  }
0x1c: {  	_ =	swait.ge [sflag:s15], $0x1F40  }
0x1d: {  	[sflag:s15] =	ssyncset.done $0x0  }
0x1e: {  	[sflag:s15] =	ssyncadd.s32 $0xFFFFE0C0  }
0x1f: {  	[spmem:s6] =	stream.linear.scatter [tilespmem:s14], [sflag:$0x3], $0x1F40, $0x38;
	[tilespmem:$0x17FC0] =	vst v63  }
0x20: {  	_ =	swait.ge [sflag:s15], $0x1F40  }
0x21: {  	[sflag:s15] =	ssyncset.done $0x0  }
0x22: {  	[sflag:s15] =	ssyncadd.s32 $0xFFFFE0C0  }
0x23: {  	[spmem:s7] =	stream.linear.scatter [tilespmem:s14], [sflag:$0x3], $0x1F40, $0x38;
	[tilespmem:$0x17FC0] =	vst v63  }
0x24: {  	_ =	swait.ge [sflag:s15], $0x1F40  }
0x25: {  	[sflag:s15] =	ssyncset.done $0x0  }
0x26: {  	[sflag:s15] =	ssyncadd.s32 $0xFFFFE0C0  }
0x27: {  	[spmem:s8] =	stream.linear.scatter [tilespmem:s14], [sflag:$0x3], $0x1F40, $0x38;
	[tilespmem:$0x17FC0] =	vst v63  }
0x28: {  	_ =	swait.ge [sflag:s15], $0x1F40  }
0x29: {  	[sflag:s15] =	ssyncset.done $0x0  }
0x2a: {  	[sflag:s15] =	ssyncadd.s32 $0xFFFFE0C0  }
0x2b: {  	[spmem:s9] =	stream.linear.scatter [tilespmem:s14], [sflag:$0x3], $0x1F40, $0x38;
	[tilespmem:$0x17FC0] =	vst v63  }
0x2c: {  	_ =	swait.ge [sflag:s15], $0x1F40  }
0x2d: {  	[sflag:s15] =	ssyncset.done $0x0  }
0x2e: {  	[sflag:s15] =	ssyncadd.s32 $0xFFFFE0C0  }
0x2f: {  	s26 =	simm.s32 $0x0;
	[bflag:$0x0] =	sbarrier.arrive $0xFFFF  }
0x30: {  	[tilespmem:s26], [sflag:$0x3] =	stream.linear.gather [hbm4b:s10+s26], $0x4E20, $0x38;
	[tilespmem:$0x17FC0] =	vst v63  }
0x31: {  	_ =	swait.ge [sflag:s15], $0x4E20  }
0x32: {  	[sflag:s15] =	ssyncset.done $0x0  }
0x33: {  	[sflag:s15] =	ssyncadd.s32 $0xFFFFB1E0  }
0x34: {  	[tilespmem:s16], [sflag:$0x3] =	stream.linear.gather [hbm4b:s11+s26], $0x4E20, $0x38;
	[tilespmem:$0x17FC0] =	vst v63  }
0x35: {  	_ =	swait.ge [sflag:s15], $0x4E20  }
0x36: {  	[sflag:s15] =	ssyncset.done $0x0  }
0x37: {  	s28 =	simm.s32 $0x0;
	[sflag:s15] =	ssyncadd.s32 $0xFFFFB1E0  }
0x38: {  	[tilespmem:s18], [sflag:$0x1] =	stream.indirect.gather [hbm4b:s1+s17], $0x40, s28, s17, $0xb8;
	[tilespmem:$0x17FC0] =	vst v63  }
0x39: {  	s29 =	simm.s32 $0x50  }
0x3a: {  	[tilespmem:s19], [sflag:$0x2] =	stream.indirect.gather [hbm4b:s1+s17], $0x40, s29, s17, $0xb8;
	[tilespmem:$0x17FC0] =	vst v63  }
0x3b: {  	_ =	swait.ge [sflag:s20], $0x1400  }
0x3c: {  	[sflag:s20] =	ssyncset.done $0x0  }
0x3d: {  	s30 =	simm.s32 $0x4E20;
	[sflag:s20] =	ssyncadd.s32 $0xFFFFEC00  }
0x3e: {  	[spmem:s3] =	stream.indirect.scatter.add.f32 [tilespmem:s18], [sflag:$0x3], $0x40, s30, s17, $0xb8;
	[tilespmem:$0x17FC0] =	vst v63  }
0x3f: {  	_ =	swait.ge [sflag:s15], $0x1400  }
0x40: {  	[sflag:s15] =	ssyncset.done $0x0  }
0x41: {  	[sflag:s15] =	ssyncadd.s32 $0xFFFFEC00  }
0x42: {  	_ =	swait.ge [sflag:s21], $0x1400  }
0x43: {  	[sflag:s21] =	ssyncset.done $0x0  }
0x44: {  	s31 =	simm.s32 $0x4E70;
	[sflag:s21] =	ssyncadd.s32 $0xFFFFEC00  }
0x45: {  	[spmem:s3] =	stream.indirect.scatter.add.f32 [tilespmem:s19], [sflag:$0x3], $0x40, s31, s17, $0xb8;
	[tilespmem:$0x17FC0] =	vst v63  }
0x46: {  	_ =	swait.ge [sflag:s15], $0x1400  }
0x47: {  	s22 =	simm.s32 $0x280;
	s23 =	simm.s32 $0x500;
	[sflag:s15] =	ssyncset.done $0x0  }
.LBB2_4:
0x48: {  	s24 =	sshra.s32 s22, $0x2  }
0x49: {  	[sflag:s15] =	ssyncadd.s32 $0xFFFFEC00;
	s22 =	smov.u32 s23;
	s25 =	sadd.s32 $0x280, s23  }
0x4a: {  	[tilespmem:s18], [sflag:$0x1] =	stream.indirect.gather [hbm4b:s1+s17], $0x40, s24, s17, $0xb8;
	[tilespmem:$0x17FC0] =	vst v63  }
0x4b: {  	p0 =	sne.s32 s23, $0x13600;
	s23 =	sadd.s32 $0x50, s24  }
0x4c: {  	[tilespmem:s19], [sflag:$0x2] =	stream.indirect.gather [hbm4b:s1+s17], $0x40, s23, s17, $0xb8;
	[tilespmem:$0x17FC0] =	vst v63  }
0x4d: {  	_ =	swait.ge [sflag:s20], $0x1400  }
0x4e: {  	[sflag:s20] =	ssyncset.done $0x0  }
0x4f: {  	s23 =	sadd.s32 $0x4E20, s24;
	[sflag:s20] =	ssyncadd.s32 $0xFFFFEC00  }
0x50: {  	[spmem:s3] =	stream.indirect.scatter.add.f32 [tilespmem:s18], [sflag:$0x3], $0x40, s23, s17, $0xb8;
	[tilespmem:$0x17FC0] =	vst v63  }
0x51: {  	_ =	swait.ge [sflag:s15], $0x1400  }
0x52: {  	[sflag:s15] =	ssyncset.done $0x0  }
0x53: {  	[sflag:s15] =	ssyncadd.s32 $0xFFFFEC00  }
0x54: {  	_ =	swait.ge [sflag:s21], $0x1400  }
.Ltmp1:
0x55: {  	[sflag:s21] =	ssyncset.done $0x0;
	(pc) =	sbr.rel @p0 .LBB2_4-.Ltmp1, $4  }
0x56: {  	s23 =	sadd.s32 $0x4E70, s24;
	[sflag:s21] =	ssyncadd.s32 $0xFFFFEC00  }
0x57: {  	[spmem:s3] =	stream.indirect.scatter.add.f32 [tilespmem:s19], [sflag:$0x3], $0x40, s23, s17, $0xb8;
	[tilespmem:$0x17FC0] =	vst v63  }
0x58: {  	_ =	swait.ge [sflag:s15], $0x1400  }
0x59: {  	s23 =	smov.u32 s25;
	[sflag:s15] =	ssyncset.done $0x0  }
0x5a: {  	s22 =	sshra.s32 s22, $0x2;
	[sflag:s15] =	ssyncadd.s32 $0xFFFFEC00  }
0x5b: {  	[tilespmem:s18], [sflag:$0x1] =	stream.indirect.gather [hbm4b:s1+s17], $0x40, s22, s17, $0xb8;
	[tilespmem:$0x17FC0] =	vst v63  }
0x5c: {  	s23 =	sadd.s32 $0x50, s22  }
0x5d: {  	[tilespmem:s19], [sflag:$0x2] =	stream.indirect.gather [hbm4b:s1+s17], $0x40, s23, s17, $0xb8;
	[tilespmem:$0x17FC0] =	vst v63  }
0x5e: {  	_ =	swait.ge [sflag:s20], $0x1400  }
0x5f: {  	[sflag:s20] =	ssyncset.done $0x0  }
0x60: {  	s29 =	sadd.s32 $0x4E20, s22;
	[sflag:s20] =	ssyncadd.s32 $0xFFFFEC00  }
0x61: {  	[spmem:s3] =	stream.indirect.scatter.add.f32 [tilespmem:s18], [sflag:$0x3], $0x40, s29, s17, $0xb8;
	[tilespmem:$0x17FC0] =	vst v63  }
0x62: {  	_ =	swait.ge [sflag:s15], $0x1400  }
0x63: {  	[sflag:s15] =	ssyncset.done $0x0  }
0x64: {  	[sflag:s15] =	ssyncadd.s32 $0xFFFFEC00  }
0x65: {  	_ =	swait.ge [sflag:s21], $0x1400  }
0x66: {  	[sflag:s21] =	ssyncset.done $0x0  }
0x67: {  	s22 =	sadd.s32 $0x4E70, s22;
	[sflag:s21] =	ssyncadd.s32 $0xFFFFEC00  }
0x68: {  	[spmem:s3] =	stream.indirect.scatter.add.f32 [tilespmem:s19], [sflag:$0x3], $0x40, s22, s17, $0xb8;
	[tilespmem:$0x17FC0] =	vst v63  }
0x69: {  	_ =	swait.ge [sflag:s15], $0x1400  }
0x6a: {  	s30 =	sshll.u32 s0, $0x6;
	s4 =	sadd.s32 $0x1, s4;
	[sflag:s15] =	ssyncset.done $0x0  }
0x6b: {  	s31 =	sshrl.u32 s5, $0x3;
	p0 =	sne.s32 s4, s13;
	[sflag:s15] =	ssyncadd.s32 $0xFFFFEC00  }
.Ltmp2:
0x6c: {  	s22 =	sor.u32 $0x1C03, s30;
	[bflag:$0x0] =	sbarrier.arrive $0xFFFF;
	(pc) =	sbr.rel @p0 .LBB2_1-.Ltmp2, $4  }
0x6d: {  	[hbm:s12], [sflag:s22] =	dma.local [spmem:s31], $0x1388  }
0x6e: {  	_ =	swait.ge [sflag:s15], $0x1388  }
0x6f: {  	[sflag:s15] =	ssyncset.done $0x0  }
0x70: {  	[sflag:s15] =	ssyncadd.s32 $0xFFFFEC78  }
0x71: {  	_ =	sfence.sel $0x180000  }
0x72: {  	[bflag:$0x0] =	sbarrier.arrive $0xFFFF  }
0x73: {  	p0 =	sne.s32 s0, $0x0;
	_ =	strace $0x9000004A  }
0x74: {  	s0 =	sadd.s32 @!p0 $0x100000, s2;
	[bflag:$0x2] =	sbarrier.arrive $0xFFFF  }
0x75: {  	[sflag:s0] =	ssyncadd.tile.s32 @!p0 $0x1;
	_ =	shalt  }
.Lfunc_end2:
_tile_overlayer_lowered:
.L_overlay_start_2:
0x76: {  	(tag) =	ssettag $0x2  }
0x77: {  	s0 =	rddreg [dreg:$0x0];
	s2 =	stileid.u32  }
0x78: {  	s1 =	rddreg [dreg:$0x1];
	p0 =	sne.s32 s2, $0x0  }
0x79: {  	s3 =	rddreg [dreg:$0x2];
	[bflag:$0x3] =	sbarrier.arrive $0xFFFF;
	s2 =	simm.s32 @!p0 $0x1C03  }
0x7a: {  	[timem:s3], [sflag:s2] =	dma.local @!p0 [hbm:s0], s1  }
0x7b: {  	s0 =	simm.s32 @!p0 $0x3  }
0x7c: {  	_ =	swait.ge @!p0 [sflag:s0], s1  }
0x7d: {  	s1 =	ssub.s32 @!p0 $0x0, s1;
	[sflag:s0] =	ssyncset.done @!p0 $0x0  }
0x7e: {  	[sflag:s0] =	ssyncadd.s32 @!p0 s1  }
0x7f: {  	[bflag:$0x3] =	sbarrier.arrive $0xFFFF  }
0x80: {  	_ =	shalt  }

// kernel: kernel.14.cloned.1.call-start
scs
__scs_entry_jumppad:
0x0: {  	(pc) =	sbr.rel $0x88, $3  }
0x1: {  	(tag) =	ssettag $0x0;
	lr =	simm.s32 $0x1  }
0x2: {  	[smem:$0x3F93] =	sst lr;
	_ =	strace $0xD0000000  }
0x3: {  	_ = 	snop  }
0x4: {  	_ = 	snop  }
0x5: {  	_ = 	snop  }
0x6: {  	_ = 	snop  }
0x7: {  	_ = 	snop  }
__scs_overlays_trampoline_lowered:
0x8: {  	[smem:$0x3FA2] =	sst s0  }
0x9: {  	[smem:$0x3FA3] =	sst s1  }
0xa: {  	[smem:$0x3FA4] =	sst s2  }
0xb: {  	[smem:$0x3FA5] =	sst s3  }
0xc: {  	[smem:$0x3FA6] =	sst s4  }
0xd: {  	[smem:$0x3FA7] =	sst s5  }
0xe: {  	[smem:$0x3FA8] =	sst s6  }
0xf: {  	[smem:$0x3FA9] =	sst s7  }
0x10: {  	[smem:$0x3FAA] =	sst s8  }
0x11: {  	[smem:$0x3FAB] =	sst s9;
	s0 =	simm.s32 @!p0 $0x0  }
0x12: {  	s1 =	sld [smem:$0x3F91];
	s0 =	simm.s32 @p0 $0x1  }
0x13: {  	[smem:$0x3FAC] =	sst s0;
	s0 =	simm.s32 @!p1 $0x0  }
0x14: {  	s2 =	sld [smem:$0x3F90];
	s0 =	simm.s32 @p1 $0x1  }
0x15: {  	[smem:$0x3FAD] =	sst s0;
	s0 =	simm.s32 @!p2 $0x0  }
0x16: {  	s3 =	sld [smem:$0x3FDB];
	s0 =	simm.s32 @p2 $0x1  }
0x17: {  	s4 =	simm.s32 $0x1BF5;
	[smem:$0x3FAF] =	sst s0  }
0x18: {  	s0 =	sld [smem:$0x3F92];
	_ =	swait.ge [sflag:s4], $0x0  }
0x19: {  	s7 =	sld [smem:$0x3F93]  }
0x1a: {  	s8 =	sadd.s32 $0xFFFFE003, lr  }
0x1b: {  	s9 =	sadd.s32 $0xFFFFFEF7, lr;
	s5 =	simm.s32 $0xFFFFFFFF;
	p2 =	slt.u32 s8, $0xFFFFF086  }
0x1c: {  	p1 =	slt.u32 s9, $0xF7A;
	s5 =	simm.s32 @!p2 $0x0  }
0x1d: {  	s5 =	simm.s32 @p1 $0x1;
	p0 =	seq.s32 s7, s2  }
0x1e: {  	s7 =	smul.u32 @!p0 $0xF7A, s2;
	p2 =	seq.s32 @!p0 s5, $0x0  }
0x1f: {  	s9 =	smul.u32 $0xF7A, s1;
	s8 =	simm.s32 @!p0 $0x1BF5;
	p2 =	por !p2, p0  }
0x20: {  	[sflag:s8] =	ssyncset.s32 @!p0 $0xFFFFF086;
	s6 =	sadd.s32 @!p0 s3, s7;
	s7 =	simm.s32 @!p0 $0x108  }
0x21: {  	s3 =	sadd.s32 s3, s9;
	s6 =	sadd.s32 @!p0 $0x88, s6;
	s7 =	simm.s32 @p2 $0x1082  }
0x22: {  	[simem:s7], [sflag:s8] =	dma.local @!p0 [hbm:s6], $0xF7A  }
0x23: {  	s9 =	sor.u32 $0xD0000000, s2;
	s6 =	simm.s32 $0x108;
	_ =	swait.ge @!p0 [sflag:s8], $0x0  }
0x24: {  	s3 =	sadd.s32 $0x88, s3;
	s6 =	simm.s32 @!p1 $0x1082;
	[sflag:s4] =	ssyncset.s32 $0xFFFFF086  }
0x25: {  	[simem:s6], [sflag:s4] =	dma.local [hbm:s3], $0xF7A  }
0x26: {  	[smem:$0x3F93] =	sst s1;
	(tag) =	ssettag s2;
	_ =	strace s9  }
0x27: {  	s1 =	sld [smem:$0x3FA3]  }
0x28: {  	s2 =	sld [smem:$0x3FA4]  }
0x29: {  	s4 =	sld [smem:$0x3FA6]  }
0x2a: {  	p0 =	seq.s32 s5, $0x0;
	s5 =	sld [smem:$0x3FA7]  }
0x2b: {  	s6 =	sld [smem:$0x3FA8]  }
0x2c: {  	s7 =	sld [smem:$0x3FA9]  }
0x2d: {  	s3 =	simm.s32 $0x108;
	s8 =	sld [smem:$0x3FAA]  }
0x2e: {  	s3 =	simm.s32 @!p0 $0x1082;
	s9 =	sld [smem:$0x3FAB]  }
0x2f: {  	lr =	sadd.s32 s0, s3;
	s0 =	sld [smem:$0x3FA2]  }
0x30: {  	s3 =	sld [smem:$0x3FA5]  }
0x31: {  	[smem:$0x3FAE] =	sst s10  }
0x32: {  	s10 =	sld [smem:$0x3FAC];
	_ =	sdelay $0x3  }
0x33: {  	p0 =	seq.s32 s10, $0x1;
	s10 =	sld [smem:$0x3FAE];
	_ =	sdelay $0x3  }
0x34: {  	[smem:$0x3FAE] =	sst s10  }
0x35: {  	s10 =	sld [smem:$0x3FAD];
	_ =	sdelay $0x3  }
0x36: {  	p1 =	seq.s32 s10, $0x1;
	s10 =	sld [smem:$0x3FAE];
	_ =	sdelay $0x3  }
0x37: {  	[smem:$0x3FAE] =	sst s10  }
0x38: {  	s10 =	sld [smem:$0x3FAF]  }
0x39: {  	_ = 	snop;
	(pc) =	sbr.ind lr, $3  }
0x3a: {  	_ = 	snop  }
0x3b: {  	_ = 	snop  }
0x3c: {  	p2 =	seq.s32 s10, $0x1;
	s10 =	sld [smem:$0x3FAE]  }
0x3d: {  	_ =	shalt  }
0x3e: {  	_ =	shalt  }
0x3f: {  	_ =	shalt  }
0x40: {  	_ =	shalt  }
0x41: {  	_ =	shalt  }
0x42: {  	_ =	shalt  }
0x43: {  	_ =	shalt  }
0x44: {  	_ =	shalt  }
0x45: {  	_ =	shalt  }
0x46: {  	_ =	shalt  }
0x47: {  	_ =	shalt  }
0x48: {  	_ =	shalt  }
0x49: {  	_ =	shalt  }
0x4a: {  	_ =	shalt  }
0x4b: {  	_ =	shalt  }
0x4c: {  	_ =	shalt  }
0x4d: {  	_ =	shalt  }
0x4e: {  	_ =	shalt  }
0x4f: {  	_ =	shalt  }
0x50: {  	_ =	shalt  }
0x51: {  	_ =	shalt  }
0x52: {  	_ =	shalt  }
0x53: {  	_ =	shalt  }
0x54: {  	_ =	shalt  }
0x55: {  	_ =	shalt  }
0x56: {  	_ =	shalt  }
0x57: {  	_ =	shalt  }
0x58: {  	_ =	shalt  }
0x59: {  	_ =	shalt  }
0x5a: {  	_ =	shalt  }
0x5b: {  	_ =	shalt  }
0x5c: {  	_ =	shalt  }
0x5d: {  	_ =	shalt  }
0x5e: {  	_ =	shalt  }
0x5f: {  	_ =	shalt  }
0x60: {  	_ =	shalt  }
0x61: {  	_ =	shalt  }
0x62: {  	_ =	shalt  }
0x63: {  	_ =	shalt  }
0x64: {  	_ =	shalt  }
0x65: {  	_ =	shalt  }
0x66: {  	_ =	shalt  }
0x67: {  	_ =	shalt  }
0x68: {  	_ =	shalt  }
0x69: {  	_ =	shalt  }
0x6a: {  	_ =	shalt  }
0x6b: {  	_ =	shalt  }
0x6c: {  	_ =	shalt  }
0x6d: {  	_ =	shalt  }
0x6e: {  	_ =	shalt  }
0x6f: {  	_ =	shalt  }
0x70: {  	_ =	shalt  }
0x71: {  	_ =	shalt  }
0x72: {  	_ =	shalt  }
0x73: {  	_ =	shalt  }
0x74: {  	_ =	shalt  }
0x75: {  	_ =	shalt  }
0x76: {  	_ =	shalt  }
0x77: {  	_ =	shalt  }
0x78: {  	_ =	shalt  }
0x79: {  	_ =	shalt  }
0x7a: {  	_ =	shalt  }
0x7b: {  	_ =	shalt  }
0x7c: {  	_ =	shalt  }
0x7d: {  	_ =	shalt  }
0x7e: {  	_ =	shalt  }
0x7f: {  	_ =	shalt  }
0x80: {  	_ =	shalt  }
0x81: {  	_ =	shalt  }
0x82: {  	_ =	shalt  }
0x83: {  	_ =	shalt  }
0x84: {  	_ =	shalt  }
0x85: {  	_ =	shalt  }
0x86: {  	_ =	shalt  }
0x87: {  	_ =	shalt  }
.Lfunc_end0:
.L_simem_size_0:
called_computation.2_lowered:
.L_overlay_start_0:
0x88: {  	s2 =	sld [smem:$0x3FD9]  }
0x89: {  	s3 =	sld [smem:$0x3FFE];
	_ =	sdelay $0x1  }
0x8a: {  	s1 =	srdreg.scid  }
0x8b: {  	s0 =	sand.u32 $0x1, s1  }
0x8c: {  	s14 =	sshll.u32 s0, $0xA;
	s2 =	sadd.s32 s3, s2  }
0x8d: {  	s2 =	sadd.s32 s2, s14  }
0x8e: {  	[smem:$0x3FBA] =	sst s2  }
0x8f: {  	_ = 	snop  }
0x90: {  	s2 =	sld [smem:$0x3FD0];
	_ =	sdelay $0x2  }
0x91: {  	s15 =	simm.s32 $0xA;
	s4 =	simm.s32 $0x10  }
0x92: {  	[smem:s4], [sflag:s15] =	dma.local [hbm:s2], $0x1  }
0x93: {  	_ =	swait.eq [sflag:s15], $0x1  }
0x94: {  	[sflag:s15] =	ssyncset.done $0x0  }
0x95: {  	s16 =	sld [smem:$0x10];
	[sflag:s15] =	ssyncadd.s32 $0xFFFFFFFF  }
0x96: {  	s17 =	sld [smem:$0x11];
	(tm) =	ssettm $0x1  }
0x97: {  	s18 =	sld [smem:$0x3FFB];
	_ =	sdelay $0x3  }
0x98: {  	_ =	strace s18  }
0x99: {  	s4 =	sld [smem:$0x3FFC];
	_ =	sdelay $0x3  }
0x9a: {  	_ =	strace s4  }
0x9b: {  	s4 =	sld [smem:$0x3FFD];
	_ =	sdelay $0x3  }
0x9c: {  	_ =	strace s4  }
0x9d: {  	_ =	strace $0x8FFFFFFF  }
0x9e: {  	s19 =	sld [smem:$0x3FDB];
	_ =	sdelay $0x1  }
0x9f: {  	s5 =	simm.s32 $_scs_section_size  }
0xa0: {  	s6 =	simm.s32 $_size__tile_overlayer_lowered;
	s7 =	simm.s32 $_tile_overlayer_lowered  }
0xa1: {  	s22 =	simm.s32 $0x1BFF;
	s21 =	sshll.u32 s7, $0x1;
	s4 =	sadd.s32 s5, s19  }
0xa2: {  	s8 =	simm.s32 $0x0;
	s20 =	sshll.u32 s6, $0x1;
	s6 =	sadd.s32 s21, s4  }
0xa3: {  	[timem:s8], [sflag:s22] =	dma.local [hbm:s6], s20  }
0xa4: {  	_ =	swait.ge [sflag:s22], s20  }
0xa5: {  	s5 =	ssub.s32 $0x0, s20;
	[sflag:s22] =	ssyncset.done $0x0  }
0xa6: {  	[sflag:s22] =	ssyncadd.s32 s5;
	_ =	sdelay $0x1  }
0xa7: {  	s23 =	simm.s32 $0x1B8B  }
0xa8: {  	_ =	swait.ge [sflag:s23], $0x1  }
0xa9: {  	[sflag:s23] =	ssyncset.done $0x0  }
0xaa: {  	s25 =	simm.s32 $0x1B8E;
	s24 =	sld [smem:$0x3FFE];
	[sflag:s23] =	ssyncadd.s32 $0xFFFFFFFF  }
0xab: {  	s26 =	simm.s32 $execute0_lowered;
	[smem:$0x3FD2] =	sst s25  }
0xac: {  	s6 =	sshll.u32 s26, $0x1;
	_ =	strace $0x8000004C;
	[dreg:$0x1] =	wrdreg $0xFFFFFFFF  }
0xad: {  	s28 =	simm.s32 $_size_execute0_lowered;
	s4 =	sadd.s32 s4, s6;
	[dreg:$0x0] =	wrdreg $0x0  }
0xae: {  	s6 =	sshll.u32 s28, $0x1;
	[dreg:$0x2] =	wrdreg s4  }
0xaf: {  	[dreg:$0x3] =	wrdreg s6  }
0xb0: {  	[dreg:$0x4] =	wrdreg $0xC0  }
0xb1: {  	_ =	task [dreg:s8], $0x5FFFF  }
0xb2: {  	[dreg:$0x1] =	wrdreg $0xFFFFFFFF  }
0xb3: {  	[dreg:$0x0] =	wrdreg $0x60  }
0xb4: {  	[dreg:$0x2] =	wrdreg s17  }
0xb5: {  	[dreg:$0x3] =	wrdreg s24  }
0xb6: {  	[dreg:$0x4] =	wrdreg s16  }
0xb7: {  	[dreg:$0x5] =	wrdreg $0xE3800  }
0xb8: {  	[dreg:$0x6] =	wrdreg $0x9  }
0xb9: {  	_ =	task.clear_ibuf [dreg:s8], $0x7FFFF;
	_ =	strace $0x9000004C  }
0xba: {  	s29 =	simm.s32 $0x9;
	_ =	strace $0x8000004E  }
0xbb: {  	_ =	swait.ge [sflag:s29], $0x1  }
0xbc: {  	[sflag:s29] =	ssyncadd.s32 $0xFFFFFFFF  }
0xbd: {  	_ =	strace $0x9000004E  }
0xbe: {  	_ =	sfence  }
0xbf: {  	s30 =	sld [smem:$0x0];
	_ =	sdelay $0x2  }
0xc0: {  	s31 =	sshll.u32 s1, $0xD;
	s1 =	sshrl.u32 s1, $0x2  }
0xc1: {  	s3 =	sand.u32 $0x4000, s31;
	s1 =	sadd.s32 s1, s30  }
0xc2: {  	s0 =	sor.u32 s3, s0;
	s1 =	sshll.u32 s1, $0x11  }
0xc3: {  	s0 =	sor.u32 s1, s0  }
0xc4: {  	s0 =	sadd.s32 $0x8F2B, s0  }
0xc5: {  	[sflag:s0] =	ssyncadd.remote.s32 $0x1  }
0xc6: {  	_ =	sfence.sel $0xFFFF  }
0xc7: {  	[dreg:$0x0] =	wrdreg $0xFFFFFFFF;
	(pc) =	sbr.abs _section_cstart, $3  }
0xc8: {  	[dreg:$0x1] =	wrdreg $0xFFFFFFFF  }
0xc9: {  	_ =	task.clear_ibuf [dreg:s8], $0x2FFFF;
	_ =	strace $0x9FFFFFFF  }
0xca: {  	(tm) =	ssettm $0x7FFFFFFF  }
0xcb: {  	_ =	shalt  }
tec
execute0_lowered:
.L_overlay_start_1:
0x0: {  	(tag) =	ssettag $0x1  }
0x1: {  	s1 =	rddreg [dreg:$0x0]  }
0x2: {  	s2 =	srdreg.scid;
	s5 =	rddreg [dreg:$0x1]  }
0x3: {  	s0 =	stileid.u32;
	s12 =	rddreg [dreg:$0x2]  }
0x4: {  	s3 =	rddreg [dreg:$0x3];
	s4 =	simm.s32 $0x0;
	s16 =	simm.s32 $0x4E20  }
0x5: {  	s17 =	simm.s32 $0x50;
	s18 =	simm.s32 $0x9C40;
	s7 =	smul.u32 $0x4E20, s0  }
0x6: {  	s19 =	simm.s32 $0xB040;
	s20 =	simm.s32 $0x1;
	s30 =	smul.u32 $0x27100, s0  }
0x7: {  	s6 =	sand.u32 $0x1, s2;
	s2 =	rddreg [dreg:$0x4];
	s13 =	smul.u32 $0x9C40, s0  }
0x8: {  	s21 =	simm.s32 $0x2;
	[smem:$0x7FF] =	sst s4;
	s8 =	smul.u32 $0x4E200, s6  }
0x9: {  	_ =	strace $0x8000004D;
	s9 =	ssub.s32 $0x2, s6;
	s11 =	smul.u32 $0x9C400, s6  }
0xa: {  	s31 =	sshrl.u32 s9, $0x1;
	s8 =	sadd.s32 s7, s8;
	s7 =	sshrl.u32 s7, $0x3  }
0xb: {  	s15 =	ssub.s32 s9, s31;
	s11 =	sadd.s32 s13, s11;
	s8 =	sshrl.u32 s8, $0x3  }
0xc: {  	s14 =	sadd.s32 s7, s5;
	s13 =	sshrl.u32 s11, $0x3;
	s10 =	sadd.s32 s8, s5  }
0xd: {  	s8 =	sshrl.u32 s30, $0x2;
	s11 =	sadd.s32 $0x3A00, s14;
	s12 =	sadd.s32 s12, s13  }
0xe: {  	s13 =	smax.u32 s15, $0x1;
	s14 =	simm.s32 $0xC440;
	s5 =	sadd.s32 s8, s3  }
0xf: {  	s15 =	simm.s32 $0x3;
	s10 =	sadd.s32 $0xD800, s10;
	s6 =	sadd.s32 $0x1F40, s5  }
0x10: {  	v0 =	vimm.f32 $0.0e+00;
	s7 =	sadd.s32 $0x3E80, s5;
	s8 =	sadd.s32 $0x5DC0, s5;
	s9 =	sadd.s32 $0x7D00, s5  }
.LBB2_1:
0x11: {  	s23 =	simm.s32 $0x100;
	s22 =	simm.s32 $0x0  }
.LBB2_2:
0x12: {  	p0 =	sne.s32 s23, $0x7C00;
	[tilespmem:s22+$0xC470] =	vst v0;
	s24 =	smov.u32 s23;
	s23 =	sadd.s32 $0x100, s23  }
.Ltmp0:
0x13: {  	[tilespmem:s22+$0xC460] =	vst v0;
	(pc) =	sbr.rel @p0 .LBB2_2-.Ltmp0, $3  }
0x14: {  	[tilespmem:s22+$0xC440] =	vst v0  }
0x15: {  	[tilespmem:s22+$0xC450] =	vst v0;
	_ =	sdelay $0x1  }
0x16: {  	s22 =	sshra.s32 s24, $0x2  }
0x17: {  	[tilespmem:s22+$0xC470] =	vst v0  }
0x18: {  	[tilespmem:s22+$0xC460] =	vst v0  }
0x19: {  	[tilespmem:s22+$0xC440] =	vst v0  }
0x1a: {  	[tilespmem:s22+$0xC450] =	vst v0  }
0x1b: {  	[spmem:s5] =	stream.linear.scatter [tilespmem:s14], [sflag:$0x3], $0x1F40, $0x38;
	[tilespmem:$0x17FC0] =	vst v63  }
0x1c: {  	_ =	swait.ge [sflag:s15], $0x1F40  }
0x1d: {  	[sflag:s15] =	ssyncset.done $0x0  }
0x1e: {  	[sflag:s15] =	ssyncadd.s32 $0xFFFFE0C0  }
0x1f: {  	[spmem:s6] =	stream.linear.scatter [tilespmem:s14], [sflag:$0x3], $0x1F40, $0x38;
	[tilespmem:$0x17FC0] =	vst v63  }
0x20: {  	_ =	swait.ge [sflag:s15], $0x1F40  }
0x21: {  	[sflag:s15] =	ssyncset.done $0x0  }
0x22: {  	[sflag:s15] =	ssyncadd.s32 $0xFFFFE0C0  }
0x23: {  	[spmem:s7] =	stream.linear.scatter [tilespmem:s14], [sflag:$0x3], $0x1F40, $0x38;
	[tilespmem:$0x17FC0] =	vst v63  }
0x24: {  	_ =	swait.ge [sflag:s15], $0x1F40  }
0x25: {  	[sflag:s15] =	ssyncset.done $0x0  }
0x26: {  	[sflag:s15] =	ssyncadd.s32 $0xFFFFE0C0  }
0x27: {  	[spmem:s8] =	stream.linear.scatter [tilespmem:s14], [sflag:$0x3], $0x1F40, $0x38;
	[tilespmem:$0x17FC0] =	vst v63  }
0x28: {  	_ =	swait.ge [sflag:s15], $0x1F40  }
0x29: {  	[sflag:s15] =	ssyncset.done $0x0  }
0x2a: {  	[sflag:s15] =	ssyncadd.s32 $0xFFFFE0C0  }
0x2b: {  	[spmem:s9] =	stream.linear.scatter [tilespmem:s14], [sflag:$0x3], $0x1F40, $0x38;
	[tilespmem:$0x17FC0] =	vst v63  }
0x2c: {  	_ =	swait.ge [sflag:s15], $0x1F40  }
0x2d: {  	[sflag:s15] =	ssyncset.done $0x0  }
0x2e: {  	[sflag:s15] =	ssyncadd.s32 $0xFFFFE0C0  }
0x2f: {  	s26 =	simm.s32 $0x0;
	[bflag:$0x0] =	sbarrier.arrive $0xFFFF  }
0x30: {  	[tilespmem:s26], [sflag:$0x3] =	stream.linear.gather [hbm4b:s10+s26], $0x4E20, $0x38;
	[tilespmem:$0x17FC0] =	vst v63  }
0x31: {  	_ =	swait.ge [sflag:s15], $0x4E20  }
0x32: {  	[sflag:s15] =	ssyncset.done $0x0  }
0x33: {  	[sflag:s15] =	ssyncadd.s32 $0xFFFFB1E0  }
0x34: {  	[tilespmem:s16], [sflag:$0x3] =	stream.linear.gather [hbm4b:s11+s26], $0x4E20, $0x38;
	[tilespmem:$0x17FC0] =	vst v63  }
0x35: {  	_ =	swait.ge [sflag:s15], $0x4E20  }
0x36: {  	[sflag:s15] =	ssyncset.done $0x0  }
0x37: {  	s28 =	simm.s32 $0x0;
	[sflag:s15] =	ssyncadd.s32 $0xFFFFB1E0  }
0x38: {  	[tilespmem:s18], [sflag:$0x1] =	stream.indirect.gather [hbm4b:s1+s17], $0x40, s28, s17, $0xb8;
	[tilespmem:$0x17FC0] =	vst v63  }
0x39: {  	s29 =	simm.s32 $0x50  }
0x3a: {  	[tilespmem:s19], [sflag:$0x2] =	stream.indirect.gather [hbm4b:s1+s17], $0x40, s29, s17, $0xb8;
	[tilespmem:$0x17FC0] =	vst v63  }
0x3b: {  	_ =	swait.ge [sflag:s20], $0x1400  }
0x3c: {  	[sflag:s20] =	ssyncset.done $0x0  }
0x3d: {  	s30 =	simm.s32 $0x4E20;
	[sflag:s20] =	ssyncadd.s32 $0xFFFFEC00  }
0x3e: {  	[spmem:s3] =	stream.indirect.scatter.add.f32 [tilespmem:s18], [sflag:$0x3], $0x40, s30, s17, $0xb8;
	[tilespmem:$0x17FC0] =	vst v63  }
0x3f: {  	_ =	swait.ge [sflag:s15], $0x1400  }
0x40: {  	[sflag:s15] =	ssyncset.done $0x0  }
0x41: {  	[sflag:s15] =	ssyncadd.s32 $0xFFFFEC00  }
0x42: {  	_ =	swait.ge [sflag:s21], $0x1400  }
0x43: {  	[sflag:s21] =	ssyncset.done $0x0  }
0x44: {  	s31 =	simm.s32 $0x4E70;
	[sflag:s21] =	ssyncadd.s32 $0xFFFFEC00  }
0x45: {  	[spmem:s3] =	stream.indirect.scatter.add.f32 [tilespmem:s19], [sflag:$0x3], $0x40, s31, s17, $0xb8;
	[tilespmem:$0x17FC0] =	vst v63  }
0x46: {  	_ =	swait.ge [sflag:s15], $0x1400  }
0x47: {  	s22 =	simm.s32 $0x280;
	s23 =	simm.s32 $0x500;
	[sflag:s15] =	ssyncset.done $0x0  }
.LBB2_4:
0x48: {  	s24 =	sshra.s32 s22, $0x2  }
0x49: {  	[sflag:s15] =	ssyncadd.s32 $0xFFFFEC00;
	s22 =	smov.u32 s23;
	s25 =	sadd.s32 $0x280, s23  }
0x4a: {  	[tilespmem:s18], [sflag:$0x1] =	stream.indirect.gather [hbm4b:s1+s17], $0x40, s24, s17, $0xb8;
	[tilespmem:$0x17FC0] =	vst v63  }
0x4b: {  	p0 =	sne.s32 s23, $0x13600;
	s23 =	sadd.s32 $0x50, s24  }
0x4c: {  	[tilespmem:s19], [sflag:$0x2] =	stream.indirect.gather [hbm4b:s1+s17], $0x40, s23, s17, $0xb8;
	[tilespmem:$0x17FC0] =	vst v63  }
0x4d: {  	_ =	swait.ge [sflag:s20], $0x1400  }
0x4e: {  	[sflag:s20] =	ssyncset.done $0x0  }
0x4f: {  	s23 =	sadd.s32 $0x4E20, s24;
	[sflag:s20] =	ssyncadd.s32 $0xFFFFEC00  }
0x50: {  	[spmem:s3] =	stream.indirect.scatter.add.f32 [tilespmem:s18], [sflag:$0x3], $0x40, s23, s17, $0xb8;
	[tilespmem:$0x17FC0] =	vst v63  }
0x51: {  	_ =	swait.ge [sflag:s15], $0x1400  }
0x52: {  	[sflag:s15] =	ssyncset.done $0x0  }
0x53: {  	[sflag:s15] =	ssyncadd.s32 $0xFFFFEC00  }
0x54: {  	_ =	swait.ge [sflag:s21], $0x1400  }
.Ltmp1:
0x55: {  	[sflag:s21] =	ssyncset.done $0x0;
	(pc) =	sbr.rel @p0 .LBB2_4-.Ltmp1, $4  }
0x56: {  	s23 =	sadd.s32 $0x4E70, s24;
	[sflag:s21] =	ssyncadd.s32 $0xFFFFEC00  }
0x57: {  	[spmem:s3] =	stream.indirect.scatter.add.f32 [tilespmem:s19], [sflag:$0x3], $0x40, s23, s17, $0xb8;
	[tilespmem:$0x17FC0] =	vst v63  }
0x58: {  	_ =	swait.ge [sflag:s15], $0x1400  }
0x59: {  	s23 =	smov.u32 s25;
	[sflag:s15] =	ssyncset.done $0x0  }
0x5a: {  	s22 =	sshra.s32 s22, $0x2;
	[sflag:s15] =	ssyncadd.s32 $0xFFFFEC00  }
0x5b: {  	[tilespmem:s18], [sflag:$0x1] =	stream.indirect.gather [hbm4b:s1+s17], $0x40, s22, s17, $0xb8;
	[tilespmem:$0x17FC0] =	vst v63  }
0x5c: {  	s23 =	sadd.s32 $0x50, s22  }
0x5d: {  	[tilespmem:s19], [sflag:$0x2] =	stream.indirect.gather [hbm4b:s1+s17], $0x40, s23, s17, $0xb8;
	[tilespmem:$0x17FC0] =	vst v63  }
0x5e: {  	_ =	swait.ge [sflag:s20], $0x1400  }
0x5f: {  	[sflag:s20] =	ssyncset.done $0x0  }
0x60: {  	s29 =	sadd.s32 $0x4E20, s22;
	[sflag:s20] =	ssyncadd.s32 $0xFFFFEC00  }
0x61: {  	[spmem:s3] =	stream.indirect.scatter.add.f32 [tilespmem:s18], [sflag:$0x3], $0x40, s29, s17, $0xb8;
	[tilespmem:$0x17FC0] =	vst v63  }
0x62: {  	_ =	swait.ge [sflag:s15], $0x1400  }
0x63: {  	[sflag:s15] =	ssyncset.done $0x0  }
0x64: {  	[sflag:s15] =	ssyncadd.s32 $0xFFFFEC00  }
0x65: {  	_ =	swait.ge [sflag:s21], $0x1400  }
0x66: {  	[sflag:s21] =	ssyncset.done $0x0  }
0x67: {  	s22 =	sadd.s32 $0x4E70, s22;
	[sflag:s21] =	ssyncadd.s32 $0xFFFFEC00  }
0x68: {  	[spmem:s3] =	stream.indirect.scatter.add.f32 [tilespmem:s19], [sflag:$0x3], $0x40, s22, s17, $0xb8;
	[tilespmem:$0x17FC0] =	vst v63  }
0x69: {  	_ =	swait.ge [sflag:s15], $0x1400  }
0x6a: {  	s30 =	sshll.u32 s0, $0x6;
	s4 =	sadd.s32 $0x1, s4;
	[sflag:s15] =	ssyncset.done $0x0  }
0x6b: {  	s31 =	sshrl.u32 s5, $0x3;
	p0 =	sne.s32 s4, s13;
	[sflag:s15] =	ssyncadd.s32 $0xFFFFEC00  }
.Ltmp2:
0x6c: {  	s22 =	sor.u32 $0x1C03, s30;
	[bflag:$0x0] =	sbarrier.arrive $0xFFFF;
	(pc) =	sbr.rel @p0 .LBB2_1-.Ltmp2, $4  }
0x6d: {  	[hbm:s12], [sflag:s22] =	dma.local [spmem:s31], $0x1388  }
0x6e: {  	_ =	swait.ge [sflag:s15], $0x1388  }
0x6f: {  	[sflag:s15] =	ssyncset.done $0x0  }
0x70: {  	[sflag:s15] =	ssyncadd.s32 $0xFFFFEC78  }
0x71: {  	_ =	sfence.sel $0x180000  }
0x72: {  	[bflag:$0x0] =	sbarrier.arrive $0xFFFF  }
0x73: {  	p0 =	sne.s32 s0, $0x0;
	_ =	strace $0x9000004D  }
0x74: {  	s0 =	sadd.s32 @!p0 $0x100000, s2;
	[bflag:$0x2] =	sbarrier.arrive $0xFFFF  }
0x75: {  	[sflag:s0] =	ssyncadd.tile.s32 @!p0 $0x1;
	_ =	shalt  }
.Lfunc_end2:
_tile_overlayer_lowered:
.L_overlay_start_2:
0x76: {  	(tag) =	ssettag $0x2  }
0x77: {  	s0 =	rddreg [dreg:$0x0];
	s2 =	stileid.u32  }
0x78: {  	s1 =	rddreg [dreg:$0x1];
	p0 =	sne.s32 s2, $0x0  }
0x79: {  	s3 =	rddreg [dreg:$0x2];
	[bflag:$0x3] =	sbarrier.arrive $0xFFFF;
	s2 =	simm.s32 @!p0 $0x1C03  }
0x7a: {  	[timem:s3], [sflag:s2] =	dma.local @!p0 [hbm:s0], s1  }
0x7b: {  	s0 =	simm.s32 @!p0 $0x3  }
0x7c: {  	_ =	swait.ge @!p0 [sflag:s0], s1  }
0x7d: {  	s1 =	ssub.s32 @!p0 $0x0, s1;
	[sflag:s0] =	ssyncset.done @!p0 $0x0  }
0x7e: {  	[sflag:s0] =	ssyncadd.s32 @!p0 s1  }
0x7f: {  	[bflag:$0x3] =	sbarrier.arrive $0xFFFF  }
0x80: {  	_ =	shalt  }

// kernel: kernel.8.cloned.1.call-start
scs
__scs_entry_jumppad:
0x0: {  	(pc) =	sbr.rel $0x88, $3  }
0x1: {  	(tag) =	ssettag $0x0;
	lr =	simm.s32 $0x1  }
0x2: {  	[smem:$0x3F93] =	sst lr;
	_ =	strace $0xD0000000  }
0x3: {  	_ = 	snop  }
0x4: {  	_ = 	snop  }
0x5: {  	_ = 	snop  }
0x6: {  	_ = 	snop  }
0x7: {  	_ = 	snop  }
__scs_overlays_trampoline_lowered:
0x8: {  	[smem:$0x3FA2] =	sst s0  }
0x9: {  	[smem:$0x3FA3] =	sst s1  }
0xa: {  	[smem:$0x3FA4] =	sst s2  }
0xb: {  	[smem:$0x3FA5] =	sst s3  }
0xc: {  	[smem:$0x3FA6] =	sst s4  }
0xd: {  	[smem:$0x3FA7] =	sst s5  }
0xe: {  	[smem:$0x3FA8] =	sst s6  }
0xf: {  	[smem:$0x3FA9] =	sst s7  }
0x10: {  	[smem:$0x3FAA] =	sst s8  }
0x11: {  	[smem:$0x3FAB] =	sst s9;
	s0 =	simm.s32 @!p0 $0x0  }
0x12: {  	s1 =	sld [smem:$0x3F91];
	s0 =	simm.s32 @p0 $0x1  }
0x13: {  	[smem:$0x3FAC] =	sst s0;
	s0 =	simm.s32 @!p1 $0x0  }
0x14: {  	s2 =	sld [smem:$0x3F90];
	s0 =	simm.s32 @p1 $0x1  }
0x15: {  	[smem:$0x3FAD] =	sst s0;
	s0 =	simm.s32 @!p2 $0x0  }
0x16: {  	s3 =	sld [smem:$0x3FDB];
	s0 =	simm.s32 @p2 $0x1  }
0x17: {  	s4 =	simm.s32 $0x1BF5;
	[smem:$0x3FAF] =	sst s0  }
0x18: {  	s0 =	sld [smem:$0x3F92];
	_ =	swait.ge [sflag:s4], $0x0  }
0x19: {  	s7 =	sld [smem:$0x3F93]  }
0x1a: {  	s8 =	sadd.s32 $0xFFFFE003, lr  }
0x1b: {  	s9 =	sadd.s32 $0xFFFFFEF7, lr;
	s5 =	simm.s32 $0xFFFFFFFF;
	p2 =	slt.u32 s8, $0xFFFFF086  }
0x1c: {  	p1 =	slt.u32 s9, $0xF7A;
	s5 =	simm.s32 @!p2 $0x0  }
0x1d: {  	s5 =	simm.s32 @p1 $0x1;
	p0 =	seq.s32 s7, s2  }
0x1e: {  	s7 =	smul.u32 @!p0 $0xF7A, s2;
	p2 =	seq.s32 @!p0 s5, $0x0  }
0x1f: {  	s9 =	smul.u32 $0xF7A, s1;
	s8 =	simm.s32 @!p0 $0x1BF5;
	p2 =	por !p2, p0  }
0x20: {  	[sflag:s8] =	ssyncset.s32 @!p0 $0xFFFFF086;
	s6 =	sadd.s32 @!p0 s3, s7;
	s7 =	simm.s32 @!p0 $0x108  }
0x21: {  	s3 =	sadd.s32 s3, s9;
	s6 =	sadd.s32 @!p0 $0x88, s6;
	s7 =	simm.s32 @p2 $0x1082  }
0x22: {  	[simem:s7], [sflag:s8] =	dma.local @!p0 [hbm:s6], $0xF7A  }
0x23: {  	s9 =	sor.u32 $0xD0000000, s2;
	s6 =	simm.s32 $0x108;
	_ =	swait.ge @!p0 [sflag:s8], $0x0  }
0x24: {  	s3 =	sadd.s32 $0x88, s3;
	s6 =	simm.s32 @!p1 $0x1082;
	[sflag:s4] =	ssyncset.s32 $0xFFFFF086  }
0x25: {  	[simem:s6], [sflag:s4] =	dma.local [hbm:s3], $0xF7A  }
0x26: {  	[smem:$0x3F93] =	sst s1;
	(tag) =	ssettag s2;
	_ =	strace s9  }
0x27: {  	s1 =	sld [smem:$0x3FA3]  }
0x28: {  	s2 =	sld [smem:$0x3FA4]  }
0x29: {  	s4 =	sld [smem:$0x3FA6]  }
0x2a: {  	p0 =	seq.s32 s5, $0x0;
	s5 =	sld [smem:$0x3FA7]  }
0x2b: {  	s6 =	sld [smem:$0x3FA8]  }
0x2c: {  	s7 =	sld [smem:$0x3FA9]  }
0x2d: {  	s3 =	simm.s32 $0x108;
	s8 =	sld [smem:$0x3FAA]  }
0x2e: {  	s3 =	simm.s32 @!p0 $0x1082;
	s9 =	sld [smem:$0x3FAB]  }
0x2f: {  	lr =	sadd.s32 s0, s3;
	s0 =	sld [smem:$0x3FA2]  }
0x30: {  	s3 =	sld [smem:$0x3FA5]  }
0x31: {  	[smem:$0x3FAE] =	sst s10  }
0x32: {  	s10 =	sld [smem:$0x3FAC];
	_ =	sdelay $0x3  }
0x33: {  	p0 =	seq.s32 s10, $0x1;
	s10 =	sld [smem:$0x3FAE];
	_ =	sdelay $0x3  }
0x34: {  	[smem:$0x3FAE] =	sst s10  }
0x35: {  	s10 =	sld [smem:$0x3FAD];
	_ =	sdelay $0x3  }
0x36: {  	p1 =	seq.s32 s10, $0x1;
	s10 =	sld [smem:$0x3FAE];
	_ =	sdelay $0x3  }
0x37: {  	[smem:$0x3FAE] =	sst s10  }
0x38: {  	s10 =	sld [smem:$0x3FAF]  }
0x39: {  	_ = 	snop;
	(pc) =	sbr.ind lr, $3  }
0x3a: {  	_ = 	snop  }
0x3b: {  	_ = 	snop  }
0x3c: {  	p2 =	seq.s32 s10, $0x1;
	s10 =	sld [smem:$0x3FAE]  }
0x3d: {  	_ =	shalt  }
0x3e: {  	_ =	shalt  }
0x3f: {  	_ =	shalt  }
0x40: {  	_ =	shalt  }
0x41: {  	_ =	shalt  }
0x42: {  	_ =	shalt  }
0x43: {  	_ =	shalt  }
0x44: {  	_ =	shalt  }
0x45: {  	_ =	shalt  }
0x46: {  	_ =	shalt  }
0x47: {  	_ =	shalt  }
0x48: {  	_ =	shalt  }
0x49: {  	_ =	shalt  }
0x4a: {  	_ =	shalt  }
0x4b: {  	_ =	shalt  }
0x4c: {  	_ =	shalt  }
0x4d: {  	_ =	shalt  }
0x4e: {  	_ =	shalt  }
0x4f: {  	_ =	shalt  }
0x50: {  	_ =	shalt  }
0x51: {  	_ =	shalt  }
0x52: {  	_ =	shalt  }
0x53: {  	_ =	shalt  }
0x54: {  	_ =	shalt  }
0x55: {  	_ =	shalt  }
0x56: {  	_ =	shalt  }
0x57: {  	_ =	shalt  }
0x58: {  	_ =	shalt  }
0x59: {  	_ =	shalt  }
0x5a: {  	_ =	shalt  }
0x5b: {  	_ =	shalt  }
0x5c: {  	_ =	shalt  }
0x5d: {  	_ =	shalt  }
0x5e: {  	_ =	shalt  }
0x5f: {  	_ =	shalt  }
0x60: {  	_ =	shalt  }
0x61: {  	_ =	shalt  }
0x62: {  	_ =	shalt  }
0x63: {  	_ =	shalt  }
0x64: {  	_ =	shalt  }
0x65: {  	_ =	shalt  }
0x66: {  	_ =	shalt  }
0x67: {  	_ =	shalt  }
0x68: {  	_ =	shalt  }
0x69: {  	_ =	shalt  }
0x6a: {  	_ =	shalt  }
0x6b: {  	_ =	shalt  }
0x6c: {  	_ =	shalt  }
0x6d: {  	_ =	shalt  }
0x6e: {  	_ =	shalt  }
0x6f: {  	_ =	shalt  }
0x70: {  	_ =	shalt  }
0x71: {  	_ =	shalt  }
0x72: {  	_ =	shalt  }
0x73: {  	_ =	shalt  }
0x74: {  	_ =	shalt  }
0x75: {  	_ =	shalt  }
0x76: {  	_ =	shalt  }
0x77: {  	_ =	shalt  }
0x78: {  	_ =	shalt  }
0x79: {  	_ =	shalt  }
0x7a: {  	_ =	shalt  }
0x7b: {  	_ =	shalt  }
0x7c: {  	_ =	shalt  }
0x7d: {  	_ =	shalt  }
0x7e: {  	_ =	shalt  }
0x7f: {  	_ =	shalt  }
0x80: {  	_ =	shalt  }
0x81: {  	_ =	shalt  }
0x82: {  	_ =	shalt  }
0x83: {  	_ =	shalt  }
0x84: {  	_ =	shalt  }
0x85: {  	_ =	shalt  }
0x86: {  	_ =	shalt  }
0x87: {  	_ =	shalt  }
.Lfunc_end0:
.L_simem_size_0:
called_computation_lowered:
.L_overlay_start_0:
0x88: {  	s2 =	sld [smem:$0x3FD9]  }
0x89: {  	s3 =	sld [smem:$0x3FFE];
	_ =	sdelay $0x1  }
0x8a: {  	s1 =	srdreg.scid  }
0x8b: {  	s0 =	sand.u32 $0x1, s1  }
0x8c: {  	s15 =	sshll.u32 s0, $0xA;
	s2 =	sadd.s32 s3, s2  }
0x8d: {  	s2 =	sadd.s32 s2, s15  }
0x8e: {  	[smem:$0x3FBA] =	sst s2  }
0x8f: {  	_ = 	snop  }
0x90: {  	s2 =	sld [smem:$0x3FD0];
	_ =	sdelay $0x2  }
0x91: {  	s16 =	simm.s32 $0xA;
	s4 =	simm.s32 $0x10  }
0x92: {  	[smem:s4], [sflag:s16] =	dma.local [hbm:s2], $0x1  }
0x93: {  	_ =	swait.eq [sflag:s16], $0x1  }
0x94: {  	[sflag:s16] =	ssyncset.done $0x0  }
0x95: {  	s17 =	sld [smem:$0x10];
	[sflag:s16] =	ssyncadd.s32 $0xFFFFFFFF  }
0x96: {  	s18 =	sld [smem:$0x11];
	(tm) =	ssettm $0x1  }
0x97: {  	s19 =	sld [smem:$0x3FFB];
	_ =	sdelay $0x3  }
0x98: {  	_ =	strace s19  }
0x99: {  	s4 =	sld [smem:$0x3FFC];
	_ =	sdelay $0x3  }
0x9a: {  	_ =	strace s4  }
0x9b: {  	s4 =	sld [smem:$0x3FFD];
	_ =	sdelay $0x3  }
0x9c: {  	_ =	strace s4  }
0x9d: {  	_ =	strace $0x8FFFFFFF  }
0x9e: {  	s20 =	sld [smem:$0x3FDB];
	_ =	sdelay $0x1  }
0x9f: {  	s5 =	simm.s32 $_scs_section_size  }
0xa0: {  	s6 =	simm.s32 $_size__tile_overlayer_lowered;
	s7 =	simm.s32 $_tile_overlayer_lowered  }
0xa1: {  	s23 =	simm.s32 $0x1BFF;
	s22 =	sshll.u32 s7, $0x1;
	s4 =	sadd.s32 s5, s20  }
0xa2: {  	s8 =	simm.s32 $0x0;
	s21 =	sshll.u32 s6, $0x1;
	s6 =	sadd.s32 s22, s4  }
0xa3: {  	[timem:s8], [sflag:s23] =	dma.local [hbm:s6], s21  }
0xa4: {  	_ =	swait.ge [sflag:s23], s21  }
0xa5: {  	s5 =	ssub.s32 $0x0, s21;
	[sflag:s23] =	ssyncset.done $0x0  }
0xa6: {  	[sflag:s23] =	ssyncadd.s32 s5;
	_ =	sdelay $0x1  }
0xa7: {  	s24 =	simm.s32 $0x1B8B  }
0xa8: {  	_ =	swait.ge [sflag:s24], $0x1  }
0xa9: {  	[sflag:s24] =	ssyncset.done $0x0  }
0xaa: {  	s25 =	simm.s32 $0x1B8E;
	[sflag:s24] =	ssyncadd.s32 $0xFFFFFFFF  }
0xab: {  	s26 =	simm.s32 $execute0_lowered;
	[smem:$0x3FD2] =	sst s25  }
0xac: {  	s5 =	sshll.u32 s26, $0x1;
	_ =	strace $0x80000046;
	[dreg:$0x1] =	wrdreg $0xFFFFFFFF  }
0xad: {  	s28 =	simm.s32 $_size_execute0_lowered;
	s4 =	sadd.s32 s4, s5;
	[dreg:$0x0] =	wrdreg $0x0  }
0xae: {  	s5 =	sshll.u32 s28, $0x1;
	[dreg:$0x2] =	wrdreg s4  }
0xaf: {  	[dreg:$0x3] =	wrdreg s5  }
0xb0: {  	[dreg:$0x4] =	wrdreg $0xC0  }
0xb1: {  	_ =	task [dreg:s8], $0x5FFFF  }
0xb2: {  	[dreg:$0x1] =	wrdreg $0xFFFFFFFF  }
0xb3: {  	[dreg:$0x0] =	wrdreg $0x60  }
0xb4: {  	[dreg:$0x2] =	wrdreg s18  }
0xb5: {  	[dreg:$0x3] =	wrdreg s17  }
0xb6: {  	[dreg:$0x4] =	wrdreg $0x43000  }
0xb7: {  	[dreg:$0x5] =	wrdreg $0x9  }
0xb8: {  	_ =	task.clear_ibuf [dreg:s8], $0x6FFFF;
	_ =	strace $0x90000046  }
0xb9: {  	s29 =	simm.s32 $0x9;
	_ =	strace $0x80000048  }
0xba: {  	_ =	swait.ge [sflag:s29], $0x1  }
0xbb: {  	[sflag:s29] =	ssyncadd.s32 $0xFFFFFFFF  }
0xbc: {  	_ =	strace $0x90000048  }
0xbd: {  	_ =	sfence  }
0xbe: {  	s30 =	sld [smem:$0x0];
	_ =	sdelay $0x2  }
0xbf: {  	s31 =	sshll.u32 s1, $0xD;
	s1 =	sshrl.u32 s1, $0x2  }
0xc0: {  	s3 =	sand.u32 $0x4000, s31;
	s1 =	sadd.s32 s1, s30  }
0xc1: {  	s0 =	sor.u32 s3, s0;
	s1 =	sshll.u32 s1, $0x11  }
0xc2: {  	s0 =	sor.u32 s1, s0  }
0xc3: {  	s0 =	sadd.s32 $0x8F2B, s0  }
0xc4: {  	[sflag:s0] =	ssyncadd.remote.s32 $0x1  }
0xc5: {  	_ =	sfence.sel $0xFFFF  }
0xc6: {  	[dreg:$0x0] =	wrdreg $0xFFFFFFFF;
	(pc) =	sbr.abs _section_cstart, $3  }
0xc7: {  	[dreg:$0x1] =	wrdreg $0xFFFFFFFF  }
0xc8: {  	_ =	task.clear_ibuf [dreg:s8], $0x2FFFF;
	_ =	strace $0x9FFFFFFF  }
0xc9: {  	(tm) =	ssettm $0x7FFFFFFF  }
tec
execute0_lowered:
.L_overlay_start_1:
0x0: {  	(tag) =	ssettag $0x1  }
0x1: {  	s5 =	rddreg [dreg:$0x0]  }
0x2: {  	s6 =	rddreg [dreg:$0x1]  }
0x3: {  	s1 =	rddreg [dreg:$0x2];
	s2 =	srdreg.scid  }
0x4: {  	s0 =	rddreg [dreg:$0x3];
	s3 =	simm.s32 $0x0;
	s11 =	simm.s32 $0x4000  }
0x5: {  	s14 =	simm.s32 $0x0;
	s4 =	sand.u32 $0x1, s2;
	[smem:$0x7FF] =	sst s3  }
0x6: {  	s2 =	stileid.u32;
	s7 =	sshll.u32 s4, $0x4;
	s4 =	ssub.s32 $0x2, s4  }
0x7: {  	s8 =	smul.u32 $0xA00, s2;
	_ =	strace $0x80000047;
	s12 =	sshll.u32 s2, $0x6  }
0x8: {  	s7 =	sor.u32 s2, s7;
	s9 =	sshrl.u32 s4, $0x1;
	s12 =	sor.u32 $0x1C01, s12  }
0x9: {  	s10 =	smul.u32 $0x50, s7;
	s9 =	ssub.s32 s4, s9;
	s31 =	sshrl.u32 s8, $0x2  }
0xa: {  	s7 =	sshll.u32 s7, $0xB;
	s8 =	simm.s32 $0x4080;
	s4 =	sadd.s32 s31, s1  }
0xb: {  	s5 =	sadd.s32 s5, s7;
	s7 =	smax.u32 s9, $0x1;
	s9 =	simm.s32 $0x1  }
0xc: {  	v0 =	vimm.f32 $1.000000000e+00;
	v1 =	vimm.f32 $0.0e+00;
	s6 =	sadd.s32 s6, s10;
	s10 =	simm.s32 $0x50;
	s13 =	sshrl.u32 s4, $0x3  }
.LBB2_1:
0xd: {  	[tilespmem:$0x4000] =	vst v0  }
0xe: {  	[tilespmem:$0x4010] =	vst v0  }
0xf: {  	[tilespmem:$0x4020] =	vst v0  }
0x10: {  	[tilespmem:$0x4030] =	vst v0  }
0x11: {  	[tilespmem:$0x4040] =	vst v0  }
0x12: {  	[tilespmem:$0x4080] =	vst v1  }
0x13: {  	[tilespmem:$0x4090] =	vst v1  }
0x14: {  	[tilespmem:$0x40A0] =	vst v1  }
0x15: {  	[tilespmem:$0x40B0] =	vst v1  }
0x16: {  	[tilespmem:$0x40C0] =	vst v1  }
0x17: {  	[tilespmem:$0x40D0] =	vst v1  }
0x18: {  	[tilespmem:$0x40E0] =	vst v1  }
0x19: {  	[tilespmem:$0x40F0] =	vst v1  }
0x1a: {  	[tilespmem:$0x4100] =	vst v1  }
0x1b: {  	[tilespmem:$0x4110] =	vst v1  }
0x1c: {  	[tilespmem:$0x4120] =	vst v1  }
0x1d: {  	[tilespmem:$0x4130] =	vst v1  }
0x1e: {  	[tilespmem:$0x4140] =	vst v1  }
0x1f: {  	[tilespmem:$0x4150] =	vst v1  }
0x20: {  	[tilespmem:$0x4160] =	vst v1  }
0x21: {  	[tilespmem:$0x4170] =	vst v1  }
0x22: {  	[tilespmem:$0x4180] =	vst v1  }
0x23: {  	[tilespmem:$0x4190] =	vst v1  }
0x24: {  	[tilespmem:$0x41A0] =	vst v1  }
0x25: {  	[tilespmem:$0x41B0] =	vst v1  }
0x26: {  	[tilespmem:$0x41C0] =	vst v1  }
0x27: {  	[tilespmem:$0x41D0] =	vst v1  }
0x28: {  	[tilespmem:$0x41E0] =	vst v1  }
0x29: {  	[tilespmem:$0x41F0] =	vst v1  }
0x2a: {  	[tilespmem:$0x4200] =	vst v1  }
0x2b: {  	[tilespmem:$0x4210] =	vst v1  }
0x2c: {  	[tilespmem:$0x4220] =	vst v1  }
0x2d: {  	[tilespmem:$0x4230] =	vst v1  }
0x2e: {  	[tilespmem:$0x4240] =	vst v1  }
0x2f: {  	[tilespmem:$0x4250] =	vst v1  }
0x30: {  	[tilespmem:$0x4260] =	vst v1  }
0x31: {  	[tilespmem:$0x4270] =	vst v1  }
0x32: {  	[tilespmem:$0x4280] =	vst v1  }
0x33: {  	[tilespmem:$0x4290] =	vst v1  }
0x34: {  	[tilespmem:$0x42A0] =	vst v1  }
0x35: {  	[tilespmem:$0x42B0] =	vst v1  }
0x36: {  	[tilespmem:$0x42C0] =	vst v1  }
0x37: {  	[tilespmem:$0x42D0] =	vst v1  }
0x38: {  	[tilespmem:$0x42E0] =	vst v1  }
0x39: {  	[tilespmem:$0x42F0] =	vst v1  }
0x3a: {  	[spmem:s4] =	stream.linear.scatter [tilespmem:s8], [sflag:$0x1], $0x280, $0x38;
	[tilespmem:$0x4580] =	vst v63  }
0x3b: {  	_ =	swait.ge [sflag:s9], $0x280  }
0x3c: {  	[sflag:s9] =	ssyncset.done $0x0  }
0x3d: {  	[sflag:s9] =	ssyncadd.s32 $0xFFFFFD80  }
0x3e: {  	[bflag:$0x0] =	sbarrier.arrive $0xFFFF  }
0x3f: {  	[tilespmem:s3], [sflag:$0x1] =	stream.linear.gather [hbm4b:s5+s3], $0x3E80, $0x38;
	[tilespmem:$0x4580] =	vst v63  }
0x40: {  	_ =	swait.ge [sflag:s9], $0x3E80  }
0x41: {  	[sflag:s9] =	ssyncset.done $0x0  }
0x42: {  	s15 =	simm.s32 $0x0;
	[sflag:s9] =	ssyncadd.s32 $0xFFFFC180  }
0x43: {  	[spmem:s1] =	stream.indirect.scatter.add.f32 [tilespmem:s11], [sflag:$0x1], $0x1, s15, s10, $0xb8;
	[tilespmem:$0x4580] =	vst v63  }
0x44: {  	_ =	swait.ge [sflag:s9], $0x50  }
0x45: {  	s15 =	simm.s32 $0x200;
	[sflag:s9] =	ssyncset.done $0x0  }
.LBB2_2:
0x46: {  	s16 =	sshra.s32 s15, $0x2;
	[sflag:s9] =	ssyncadd.s32 $0xFFFFFFB0;
	p0 =	sne.s32 s15, $0xF800  }
0x47: {  	[spmem:s1] =	stream.indirect.scatter.add.f32 [tilespmem:s11], [sflag:$0x1], $0x1, s16, s10, $0xb8;
	[tilespmem:$0x4580] =	vst v63  }
.Ltmp0:
0x48: {  	_ = 	snop;
	(pc) =	sbr.rel @p0 .LBB2_2-.Ltmp0, $4  }
0x49: {  	_ = 	snop  }
0x4a: {  	s15 =	sadd.s32 $0x200, s15  }
0x4b: {  	_ =	swait.ge [sflag:s9], $0x50  }
0x4c: {  	[sflag:s9] =	ssyncset.done $0x0  }
0x4d: {  	s14 =	sadd.s32 $0x1, s14  }
0x4e: {  	[sflag:s9] =	ssyncadd.s32 $0xFFFFFFB0;
	p0 =	sne.s32 s14, s7  }
.Ltmp1:
0x4f: {  	[bflag:$0x0] =	sbarrier.arrive $0xFFFF;
	(pc) =	sbr.rel @p0 .LBB2_1-.Ltmp1, $4  }
0x50: {  	[hbm:s6], [sflag:s12] =	dma.local [spmem:s13], $0x50  }
0x51: {  	_ =	swait.ge [sflag:s9], $0x50  }
0x52: {  	[sflag:s9] =	ssyncset.done $0x0  }
0x53: {  	[sflag:s9] =	ssyncadd.s32 $0xFFFFFFB0  }
0x54: {  	_ =	sfence.sel $0x180000  }
0x55: {  	[bflag:$0x0] =	sbarrier.arrive $0xFFFF  }
0x56: {  	p0 =	sne.s32 s2, $0x0;
	_ =	strace $0x90000047  }
0x57: {  	s0 =	sadd.s32 @!p0 $0x100000, s0;
	[bflag:$0x2] =	sbarrier.arrive $0xFFFF  }
0x58: {  	[sflag:s0] =	ssyncadd.tile.s32 @!p0 $0x1;
	_ =	shalt  }
.Lfunc_end2:
_tile_overlayer_lowered:
.L_overlay_start_2:
0x59: {  	(tag) =	ssettag $0x2  }
0x5a: {  	s0 =	rddreg [dreg:$0x0];
	s2 =	stileid.u32  }
0x5b: {  	s1 =	rddreg [dreg:$0x1];
	p0 =	sne.s32 s2, $0x0  }
0x5c: {  	s3 =	rddreg [dreg:$0x2];
	[bflag:$0x3] =	sbarrier.arrive $0xFFFF;
	s2 =	simm.s32 @!p0 $0x1C01  }
0x5d: {  	[timem:s3], [sflag:s2] =	dma.local @!p0 [hbm:s0], s1  }
0x5e: {  	s0 =	simm.s32 @!p0 $0x1  }
0x5f: {  	_ =	swait.ge @!p0 [sflag:s0], s1  }
0x60: {  	s1 =	ssub.s32 @!p0 $0x0, s1;
	[sflag:s0] =	ssyncset.done @!p0 $0x0  }
0x61: {  	[sflag:s0] =	ssyncadd.s32 @!p0 s1  }
0x62: {  	[bflag:$0x3] =	sbarrier.arrive $0xFFFF  }
0x63: {  	_ =	shalt  }

</sc_bundles>
